<compile_context>
chip_gen: v7x
topology: tpu7x:2x2x1
jax: 0.10.2.dev20260603
libtpu: 0.0.44.dev20260713+nightly
codegen_flags: <defaults>
</compile_context>

<pallas_src>
import functools

import jax
import jax.numpy as jnp
from jax import lax
from jax.experimental import pallas as pl
from jax.experimental.pallas import tpu as pltpu
from jax.experimental.pallas import tpu_sc as plsc

NC = 2
NS = 16
NW = NC * NS
CH = 128
NBUF = 4


@functools.partial(jax.jit, static_argnames=("n_chunks", "d"))
def _sc_gather(idx3, table, n_chunks, d):
    btot = NW * n_chunks * CH
    mesh = plsc.VectorSubcoreMesh(core_axis_name="c", subcore_axis_name="s")

    @functools.partial(
        pl.kernel,
        mesh=mesh,
        out_type=jax.ShapeDtypeStruct((btot, 2 * d), jnp.float32),
        scratch_types=[
            pltpu.VMEM((n_chunks, CH), jnp.int32),
            pltpu.VMEM((NBUF, CH, d), jnp.float32),
        ]
        + [pltpu.SemaphoreType.DMA] * (2 * NBUF),
        compiler_params=pltpu.CompilerParams(use_tc_tiling_on_sc=False),
    )
    def k(table_hbm, idx_hbm, out_hbm, idx_v, rows_v, *sems):
        in_sems = sems[:NBUF]
        out_sems = sems[NBUF:]
        wid = lax.axis_index("s") * NC + lax.axis_index("c")
        base = wid * (n_chunks * CH)

        pltpu.sync_copy(idx_hbm.at[wid], idx_v)

        def gather(j, b):
            return pltpu.make_async_copy(
                table_hbm.at[idx_v.at[j]], rows_v.at[b], in_sems[b]
            )

        def put(j, b):
            return pltpu.make_async_copy(
                rows_v.at[b],
                out_hbm.at[pl.ds(base + j * CH, CH), pl.ds(0, d)],
                out_sems[b],
            )

        for b in range(NBUF):
            gather(b, b).start()

        def body(g, carry):
            for b in range(NBUF):
                j = g * NBUF + b
                gather(j, b).wait()
                put(j, b).start()
                put(j, b).wait()
                gather(j + NBUF, b).start()
            return carry

        lax.fori_loop(0, (n_chunks - NBUF) // NBUF, body, 0)

        for b in range(NBUF):
            j = (n_chunks - NBUF) + b
            gather(j, b).wait()
            put(j, b).start()
        for b in range(NBUF):
            j = (n_chunks - NBUF) + b
            put(j, b).wait()

    return k(table, idx3)


def kernel(token_index, params):
    b, t = token_index.shape
    v, d = params.shape
    ph = lax.optimization_barrier(params.reshape(v // 2, 2 * d))
    table = ph.reshape(v, d)
    flat = token_index.reshape(-1).astype(jnp.int32)
    n_chunks = flat.shape[0] // (NW * CH)
    idx3 = flat.reshape(NW, n_chunks, CH)
    out = _sc_gather(idx3, table, n_chunks, d)
    return out[:, :d].reshape(b, t, d)

# --- scband reference (transcript-rebuilt; emitter-appended) ---
"""Pipeline reference for scband-token-embedding-82557861363998 (READ-ONLY COPY).

The authoritative reference and input builder live on the scoring server;
editing this copy changes nothing except your own understanding.
"""

import jax, jax.numpy as jnp
import numpy as np

V = 1000000
C = 64
B = 4096
T = 200

def setup_inputs(seed: int = 0) -> dict:
    key = jax.random.key(seed)
    k_idx, k_w = jax.random.split(key)
    token_index = jax.random.randint(k_idx, (B, T), 0, V, dtype=jnp.int64 if jax.config.jax_enable_x64 else jnp.int32)
    params = jax.random.normal(k_w, (V, C), dtype=jnp.float32)
    return {"token_index": token_index, "params": params}

def reference(token_index, params):
    # Faithful translation of TokenEmbedding.forward: self.params_[token_index]
    return jnp.take(params, token_index, axis=0)

if __name__ == "__main__":
    import jax
    _d = setup_inputs()
    print(jax.jit(kernel)(*tuple(_d.values())))

</pallas_src>

<mosaic_0001>
#map = affine_map<(d0, d1) -> (0, 0)>
#map1 = affine_map<(d0, d1) -> (0, 0, 0)>
module attributes {stable_mosaic.version = 14 : i64} {
  func.func @k(%arg0: i32, %arg1: i32, %arg2: memref<1000000x64xf32, #tpu.memory_space<hbm>>, %arg3: memref<32x200x128xi32, #tpu.memory_space<hbm>>, %arg4: memref<819200x128xf32, #tpu.memory_space<hbm>>, %arg5: memref<200x128xi32, #tpu.memory_space<vmem>>, %arg6: memref<4x128x64xf32, #tpu.memory_space<vmem>>, %arg7: memref<!tpu.dma_semaphore, #tpu.memory_space<semaphore_mem>>, %arg8: memref<!tpu.dma_semaphore, #tpu.memory_space<semaphore_mem>>, %arg9: memref<!tpu.dma_semaphore, #tpu.memory_space<semaphore_mem>>, %arg10: memref<!tpu.dma_semaphore, #tpu.memory_space<semaphore_mem>>, %arg11: memref<!tpu.dma_semaphore, #tpu.memory_space<semaphore_mem>>, %arg12: memref<!tpu.dma_semaphore, #tpu.memory_space<semaphore_mem>>, %arg13: memref<!tpu.dma_semaphore, #tpu.memory_space<semaphore_mem>>, %arg14: memref<!tpu.dma_semaphore, #tpu.memory_space<semaphore_mem>>) attributes {dimension_semantics = [#tpu.dimension_semantics<core_parallel>, #tpu.dimension_semantics<subcore_parallel>], iteration_bounds = array<i64: 2, 16>, scalar_prefetch = 0 : i64, scratch_operands = 10 : i64, tpu.core_type = #tpu.core_type<sc_vector_subcore>, window_params = [{transform_indices = #map}, {transform_indices = #map1}, {transform_indices = #map}]} {
    %mul3A = arith.constant 2 : i32
    %mul3A_0 = arith.muli %arg1, %mul3A : i32
    %add3A = arith.addi %mul3A_0, %arg0 : i32
    %mul3A_1 = arith.constant 25600 : i32
    %mul3A_2 = arith.muli %add3A, %mul3A_1 : i32
    "tpu.region"() ({
      %run_scoped3A = tpu.sem_alloc : memref<!tpu.dma_semaphore, #tpu.memory_space<semaphore_mem>>
      %dma_start3A_222 = arith.constant 0 : i32
      %dma_start3A_223 = arith.constant 0 : i32
      %dma_start3A_224 = tpu.memref_slice %arg3[%add3A, %dma_start3A_222, %dma_start3A_223] : memref<32x200x128xi32, #tpu.memory_space<hbm>> -> memref<1x200x128xi32, #tpu.memory_space<hbm>>
      %dma_start3A_225 = tpu.memref_squeeze %dma_start3A_224 : memref<1x200x128xi32, #tpu.memory_space<hbm>> -> memref<200x128xi32, #tpu.memory_space<hbm>>
      %dma_start3A_226 = arith.constant 0 : i32
      %dma_start3A_227 = arith.constant 0 : i32
      %dma_start3A_228 = tpu.memref_slice %arg3[%add3A, %dma_start3A_226, %dma_start3A_227] : memref<32x200x128xi32, #tpu.memory_space<hbm>> -> memref<1x200x128xi32, #tpu.memory_space<hbm>>
      %dma_start3A_229 = tpu.memref_squeeze %dma_start3A_228 : memref<1x200x128xi32, #tpu.memory_space<hbm>> -> memref<200x128xi32, #tpu.memory_space<hbm>>
      tpu.enqueue_dma source(%dma_start3A_229 : memref<200x128xi32, #tpu.memory_space<hbm>>) target(%arg5 : memref<200x128xi32, #tpu.memory_space<vmem>>) target_semaphore(%run_scoped3A : memref<!tpu.dma_semaphore, #tpu.memory_space<semaphore_mem>>)
      %dma_wait3A_230 = arith.constant 0 : i32
      %dma_wait3A_231 = arith.constant 0 : i32
      %dma_wait3A_232 = tpu.memref_slice %arg3[%add3A, %dma_wait3A_230, %dma_wait3A_231] : memref<32x200x128xi32, #tpu.memory_space<hbm>> -> memref<1x200x128xi32, #tpu.memory_space<hbm>>
      %dma_wait3A_233 = tpu.memref_squeeze %dma_wait3A_232 : memref<1x200x128xi32, #tpu.memory_space<hbm>> -> memref<200x128xi32, #tpu.memory_space<hbm>>
      %dma_wait3A_234 = arith.constant 0 : i32
      %dma_wait3A_235 = arith.constant 0 : i32
      %dma_wait3A_236 = tpu.memref_slice %arg3[%add3A, %dma_wait3A_234, %dma_wait3A_235] : memref<32x200x128xi32, #tpu.memory_space<hbm>> -> memref<1x200x128xi32, #tpu.memory_space<hbm>>
      %dma_wait3A_237 = tpu.memref_squeeze %dma_wait3A_236 : memref<1x200x128xi32, #tpu.memory_space<hbm>> -> memref<200x128xi32, #tpu.memory_space<hbm>>
      tpu.wait_dma2 semaphore(%run_scoped3A : memref<!tpu.dma_semaphore, #tpu.memory_space<semaphore_mem>>) src(%dma_wait3A_237 : memref<200x128xi32, #tpu.memory_space<hbm>>) dst(%arg5 : memref<200x128xi32, #tpu.memory_space<vmem>>)
      tpu.yield
    }) : () -> ()
    %dma_start3A = arith.constant 0 : i32
    %dma_start3A_3 = arith.constant 0 : i32
    %dma_start3A_4 = arith.constant 0 : i32
    %dma_start3A_5 = arith.constant 0 : i32
    %dma_start3A_6 = tpu.memref_slice %arg6[%dma_start3A_3, %dma_start3A_4, %dma_start3A_5] : memref<4x128x64xf32, #tpu.memory_space<vmem>> -> memref<1x128x64xf32, #tpu.memory_space<vmem>>
    %dma_start3A_7 = tpu.memref_squeeze %dma_start3A_6 : memref<1x128x64xf32, #tpu.memory_space<vmem>> -> memref<128x64xf32, #tpu.memory_space<vmem>>
    %dma_start3A_8 = arith.constant 0 : i32
    %dma_start3A_9 = tpu.memref_slice %arg5[%dma_start3A, %dma_start3A_8] : memref<200x128xi32, #tpu.memory_space<vmem>> -> memref<1x128xi32, #tpu.memory_space<vmem>>
    %dma_start3A_10 = tpu.memref_squeeze %dma_start3A_9 : memref<1x128xi32, #tpu.memory_space<vmem>> -> memref<128xi32, #tpu.memory_space<vmem>>
    %dma_start3A_11 = arith.constant 0 : i32
    %dma_start3A_12 = arith.constant 0 : i32
    %dma_start3A_13 = tpu.memref_slice %arg2[%dma_start3A_11, %dma_start3A_12] : memref<1000000x64xf32, #tpu.memory_space<hbm>> -> memref<1000000x64xf32, #tpu.memory_space<hbm>>
    tpu.enqueue_indirect_dma source(%dma_start3A_13 : memref<1000000x64xf32, #tpu.memory_space<hbm>>) target(%dma_start3A_7 : memref<128x64xf32, #tpu.memory_space<vmem>>) offsets(%dma_start3A_10 : memref<128xi32, #tpu.memory_space<vmem>>) semaphore(%arg7 : memref<!tpu.dma_semaphore, #tpu.memory_space<semaphore_mem>>)
    %dma_start3A_14 = arith.constant 1 : i32
    %dma_start3A_15 = arith.constant 1 : i32
    %dma_start3A_16 = arith.constant 0 : i32
    %dma_start3A_17 = arith.constant 0 : i32
    %dma_start3A_18 = tpu.memref_slice %arg6[%dma_start3A_15, %dma_start3A_16, %dma_start3A_17] : memref<4x128x64xf32, #tpu.memory_space<vmem>> -> memref<1x128x64xf32, #tpu.memory_space<vmem>>
    %dma_start3A_19 = tpu.memref_squeeze %dma_start3A_18 : memref<1x128x64xf32, #tpu.memory_space<vmem>> -> memref<128x64xf32, #tpu.memory_space<vmem>>
    %dma_start3A_20 = arith.constant 0 : i32
    %dma_start3A_21 = tpu.memref_slice %arg5[%dma_start3A_14, %dma_start3A_20] : memref<200x128xi32, #tpu.memory_space<vmem>> -> memref<1x128xi32, #tpu.memory_space<vmem>>
    %dma_start3A_22 = tpu.memref_squeeze %dma_start3A_21 : memref<1x128xi32, #tpu.memory_space<vmem>> -> memref<128xi32, #tpu.memory_space<vmem>>
    %dma_start3A_23 = arith.constant 0 : i32
    %dma_start3A_24 = arith.constant 0 : i32
    %dma_start3A_25 = tpu.memref_slice %arg2[%dma_start3A_23, %dma_start3A_24] : memref<1000000x64xf32, #tpu.memory_space<hbm>> -> memref<1000000x64xf32, #tpu.memory_space<hbm>>
    tpu.enqueue_indirect_dma source(%dma_start3A_25 : memref<1000000x64xf32, #tpu.memory_space<hbm>>) target(%dma_start3A_19 : memref<128x64xf32, #tpu.memory_space<vmem>>) offsets(%dma_start3A_22 : memref<128xi32, #tpu.memory_space<vmem>>) semaphore(%arg8 : memref<!tpu.dma_semaphore, #tpu.memory_space<semaphore_mem>>)
    %dma_start3A_26 = arith.constant 2 : i32
    %dma_start3A_27 = arith.constant 2 : i32
    %dma_start3A_28 = arith.constant 0 : i32
    %dma_start3A_29 = arith.constant 0 : i32
    %dma_start3A_30 = tpu.memref_slice %arg6[%dma_start3A_27, %dma_start3A_28, %dma_start3A_29] : memref<4x128x64xf32, #tpu.memory_space<vmem>> -> memref<1x128x64xf32, #tpu.memory_space<vmem>>
    %dma_start3A_31 = tpu.memref_squeeze %dma_start3A_30 : memref<1x128x64xf32, #tpu.memory_space<vmem>> -> memref<128x64xf32, #tpu.memory_space<vmem>>
    %dma_start3A_32 = arith.constant 0 : i32
    %dma_start3A_33 = tpu.memref_slice %arg5[%dma_start3A_26, %dma_start3A_32] : memref<200x128xi32, #tpu.memory_space<vmem>> -> memref<1x128xi32, #tpu.memory_space<vmem>>
    %dma_start3A_34 = tpu.memref_squeeze %dma_start3A_33 : memref<1x128xi32, #tpu.memory_space<vmem>> -> memref<128xi32, #tpu.memory_space<vmem>>
    %dma_start3A_35 = arith.constant 0 : i32
    %dma_start3A_36 = arith.constant 0 : i32
    %dma_start3A_37 = tpu.memref_slice %arg2[%dma_start3A_35, %dma_start3A_36] : memref<1000000x64xf32, #tpu.memory_space<hbm>> -> memref<1000000x64xf32, #tpu.memory_space<hbm>>
    tpu.enqueue_indirect_dma source(%dma_start3A_37 : memref<1000000x64xf32, #tpu.memory_space<hbm>>) target(%dma_start3A_31 : memref<128x64xf32, #tpu.memory_space<vmem>>) offsets(%dma_start3A_34 : memref<128xi32, #tpu.memory_space<vmem>>) semaphore(%arg9 : memref<!tpu.dma_semaphore, #tpu.memory_space<semaphore_mem>>)
    %dma_start3A_38 = arith.constant 3 : i32
    %dma_start3A_39 = arith.constant 3 : i32
    %dma_start3A_40 = arith.constant 0 : i32
    %dma_start3A_41 = arith.constant 0 : i32
    %dma_start3A_42 = tpu.memref_slice %arg6[%dma_start3A_39, %dma_start3A_40, %dma_start3A_41] : memref<4x128x64xf32, #tpu.memory_space<vmem>> -> memref<1x128x64xf32, #tpu.memory_space<vmem>>
    %dma_start3A_43 = tpu.memref_squeeze %dma_start3A_42 : memref<1x128x64xf32, #tpu.memory_space<vmem>> -> memref<128x64xf32, #tpu.memory_space<vmem>>
    %dma_start3A_44 = arith.constant 0 : i32
    %dma_start3A_45 = tpu.memref_slice %arg5[%dma_start3A_38, %dma_start3A_44] : memref<200x128xi32, #tpu.memory_space<vmem>> -> memref<1x128xi32, #tpu.memory_space<vmem>>
    %dma_start3A_46 = tpu.memref_squeeze %dma_start3A_45 : memref<1x128xi32, #tpu.memory_space<vmem>> -> memref<128xi32, #tpu.memory_space<vmem>>
    %dma_start3A_47 = arith.constant 0 : i32
    %dma_start3A_48 = arith.constant 0 : i32
    %dma_start3A_49 = tpu.memref_slice %arg2[%dma_start3A_47, %dma_start3A_48] : memref<1000000x64xf32, #tpu.memory_space<hbm>> -> memref<1000000x64xf32, #tpu.memory_space<hbm>>
    tpu.enqueue_indirect_dma source(%dma_start3A_49 : memref<1000000x64xf32, #tpu.memory_space<hbm>>) target(%dma_start3A_43 : memref<128x64xf32, #tpu.memory_space<vmem>>) offsets(%dma_start3A_46 : memref<128xi32, #tpu.memory_space<vmem>>) semaphore(%arg10 : memref<!tpu.dma_semaphore, #tpu.memory_space<semaphore_mem>>)
    %scan3A = arith.constant 0 : i32
    %scan3A_50 = arith.constant 0 : i32
    %scan3A_51 = arith.constant 49 : i32
    %scan3A_52 = arith.addi %scan3A_50, %scan3A_51 : i32
    %scan3A_53 = arith.constant 1 : i32
    scf.for %scan3A_222 = %scan3A_50 to %scan3A_52 step %scan3A_53  : i32 {
      %mul3A_223 = arith.constant 4 : i32
      %mul3A_224 = arith.muli %scan3A_222, %mul3A_223 : i32
      %add3A_225 = arith.constant 0 : i32
      %add3A_226 = arith.addi %mul3A_224, %add3A_225 : i32
      %dma_wait3A_227 = arith.constant 0 : i32
      %dma_wait3A_228 = arith.constant 0 : i32
      %dma_wait3A_229 = arith.constant 0 : i32
      %dma_wait3A_230 = tpu.memref_slice %arg6[%dma_wait3A_227, %dma_wait3A_228, %dma_wait3A_229] : memref<4x128x64xf32, #tpu.memory_space<vmem>> -> memref<1x128x64xf32, #tpu.memory_space<vmem>>
      %dma_wait3A_231 = tpu.memref_squeeze %dma_wait3A_230 : memref<1x128x64xf32, #tpu.memory_space<vmem>> -> memref<128x64xf32, #tpu.memory_space<vmem>>
      %dma_wait3A_232 = arith.constant 0 : i32
      %dma_wait3A_233 = tpu.memref_slice %arg5[%add3A_226, %dma_wait3A_232] : memref<200x128xi32, #tpu.memory_space<vmem>> -> memref<1x128xi32, #tpu.memory_space<vmem>>
      %dma_wait3A_234 = tpu.memref_squeeze %dma_wait3A_233 : memref<1x128xi32, #tpu.memory_space<vmem>> -> memref<128xi32, #tpu.memory_space<vmem>>
      %dma_wait3A_235 = arith.constant 0 : i32
      %dma_wait3A_236 = arith.constant 0 : i32
      %dma_wait3A_237 = tpu.memref_slice %arg2[%dma_wait3A_235, %dma_wait3A_236] : memref<1000000x64xf32, #tpu.memory_space<hbm>> -> memref<1000000x64xf32, #tpu.memory_space<hbm>>
      tpu.wait_indirect_dma semaphore(%arg7 : memref<!tpu.dma_semaphore, #tpu.memory_space<semaphore_mem>>) src(%dma_wait3A_237 : memref<1000000x64xf32, #tpu.memory_space<hbm>>) dst(%dma_wait3A_231 : memref<128x64xf32, #tpu.memory_space<vmem>>)
      %mul3A_238 = arith.constant 128 : i32
      %mul3A_239 = arith.muli %add3A_226, %mul3A_238 : i32
      %add3A_240 = arith.addi %mul3A_2, %mul3A_239 : i32
      %dma_start3A_241 = arith.constant 0 : i32
      %dma_start3A_242 = arith.constant 0 : i32
      %dma_start3A_243 = arith.constant 0 : i32
      %dma_start3A_244 = tpu.memref_slice %arg6[%dma_start3A_241, %dma_start3A_242, %dma_start3A_243] : memref<4x128x64xf32, #tpu.memory_space<vmem>> -> memref<1x128x64xf32, #tpu.memory_space<vmem>>
      %dma_start3A_245 = tpu.memref_squeeze %dma_start3A_244 : memref<1x128x64xf32, #tpu.memory_space<vmem>> -> memref<128x64xf32, #tpu.memory_space<vmem>>
      %dma_start3A_246 = arith.constant 0 : i32
      %dma_start3A_247 = tpu.memref_slice %arg4[%add3A_240, %dma_start3A_246] : memref<819200x128xf32, #tpu.memory_space<hbm>> -> memref<128x64xf32, #tpu.memory_space<hbm>>
      %dma_start3A_248 = arith.constant 0 : i32
      %dma_start3A_249 = tpu.memref_slice %arg4[%add3A_240, %dma_start3A_248] : memref<819200x128xf32, #tpu.memory_space<hbm>> -> memref<128x64xf32, #tpu.memory_space<hbm>>
      %dma_start3A_250 = arith.constant 0 : i32
      %dma_start3A_251 = arith.constant 0 : i32
      %dma_start3A_252 = tpu.memref_slice %arg6[%dma_start3A_241, %dma_start3A_250, %dma_start3A_251] : memref<4x128x64xf32, #tpu.memory_space<vmem>> -> memref<1x128x64xf32, #tpu.memory_space<vmem>>
      %dma_start3A_253 = tpu.memref_squeeze %dma_start3A_252 : memref<1x128x64xf32, #tpu.memory_space<vmem>> -> memref<128x64xf32, #tpu.memory_space<vmem>>
      tpu.enqueue_dma source(%dma_start3A_253 : memref<128x64xf32, #tpu.memory_space<vmem>>) target(%dma_start3A_249 : memref<128x64xf32, #tpu.memory_space<hbm>>) target_semaphore(%arg11 : memref<!tpu.dma_semaphore, #tpu.memory_space<semaphore_mem>>)
      %mul3A_254 = arith.constant 128 : i32
      %mul3A_255 = arith.muli %add3A_226, %mul3A_254 : i32
      %add3A_256 = arith.addi %mul3A_2, %mul3A_255 : i32
      %dma_wait3A_257 = arith.constant 0 : i32
      %dma_wait3A_258 = arith.constant 0 : i32
      %dma_wait3A_259 = arith.constant 0 : i32
      %dma_wait3A_260 = tpu.memref_slice %arg6[%dma_wait3A_257, %dma_wait3A_258, %dma_wait3A_259] : memref<4x128x64xf32, #tpu.memory_space<vmem>> -> memref<1x128x64xf32, #tpu.memory_space<vmem>>
      %dma_wait3A_261 = tpu.memref_squeeze %dma_wait3A_260 : memref<1x128x64xf32, #tpu.memory_space<vmem>> -> memref<128x64xf32, #tpu.memory_space<vmem>>
      %dma_wait3A_262 = arith.constant 0 : i32
      %dma_wait3A_263 = tpu.memref_slice %arg4[%add3A_256, %dma_wait3A_262] : memref<819200x128xf32, #tpu.memory_space<hbm>> -> memref<128x64xf32, #tpu.memory_space<hbm>>
      %dma_wait3A_264 = arith.constant 0 : i32
      %dma_wait3A_265 = tpu.memref_slice %arg4[%add3A_256, %dma_wait3A_264] : memref<819200x128xf32, #tpu.memory_space<hbm>> -> memref<128x64xf32, #tpu.memory_space<hbm>>
      %dma_wait3A_266 = arith.constant 0 : i32
      %dma_wait3A_267 = arith.constant 0 : i32
      %dma_wait3A_268 = tpu.memref_slice %arg6[%dma_wait3A_257, %dma_wait3A_266, %dma_wait3A_267] : memref<4x128x64xf32, #tpu.memory_space<vmem>> -> memref<1x128x64xf32, #tpu.memory_space<vmem>>
      %dma_wait3A_269 = tpu.memref_squeeze %dma_wait3A_268 : memref<1x128x64xf32, #tpu.memory_space<vmem>> -> memref<128x64xf32, #tpu.memory_space<vmem>>
      tpu.wait_dma2 semaphore(%arg11 : memref<!tpu.dma_semaphore, #tpu.memory_space<semaphore_mem>>) src(%dma_wait3A_269 : memref<128x64xf32, #tpu.memory_space<vmem>>) dst(%dma_wait3A_265 : memref<128x64xf32, #tpu.memory_space<hbm>>)
      %add3A_270 = arith.constant 4 : i32
      %add3A_271 = arith.addi %add3A_226, %add3A_270 : i32
      %dma_start3A_272 = arith.constant 0 : i32
      %dma_start3A_273 = arith.constant 0 : i32
      %dma_start3A_274 = arith.constant 0 : i32
      %dma_start3A_275 = tpu.memref_slice %arg6[%dma_start3A_272, %dma_start3A_273, %dma_start3A_274] : memref<4x128x64xf32, #tpu.memory_space<vmem>> -> memref<1x128x64xf32, #tpu.memory_space<vmem>>
      %dma_start3A_276 = tpu.memref_squeeze %dma_start3A_275 : memref<1x128x64xf32, #tpu.memory_space<vmem>> -> memref<128x64xf32, #tpu.memory_space<vmem>>
      %dma_start3A_277 = arith.constant 0 : i32
      %dma_start3A_278 = tpu.memref_slice %arg5[%add3A_271, %dma_start3A_277] : memref<200x128xi32, #tpu.memory_space<vmem>> -> memref<1x128xi32, #tpu.memory_space<vmem>>
      %dma_start3A_279 = tpu.memref_squeeze %dma_start3A_278 : memref<1x128xi32, #tpu.memory_space<vmem>> -> memref<128xi32, #tpu.memory_space<vmem>>
      %dma_start3A_280 = arith.constant 0 : i32
      %dma_start3A_281 = arith.constant 0 : i32
      %dma_start3A_282 = tpu.memref_slice %arg2[%dma_start3A_280, %dma_start3A_281] : memref<1000000x64xf32, #tpu.memory_space<hbm>> -> memref<1000000x64xf32, #tpu.memory_space<hbm>>
      tpu.enqueue_indirect_dma source(%dma_start3A_282 : memref<1000000x64xf32, #tpu.memory_space<hbm>>) target(%dma_start3A_276 : memref<128x64xf32, #tpu.memory_space<vmem>>) offsets(%dma_start3A_279 : memref<128xi32, #tpu.memory_space<vmem>>) semaphore(%arg7 : memref<!tpu.dma_semaphore, #tpu.memory_space<semaphore_mem>>)
      %mul3A_283 = arith.constant 4 : i32
      %mul3A_284 = arith.muli %scan3A_222, %mul3A_283 : i32
      %add3A_285 = arith.constant 1 : i32
      %add3A_286 = arith.addi %mul3A_284, %add3A_285 : i32
      %dma_wait3A_287 = arith.constant 1 : i32
      %dma_wait3A_288 = arith.constant 0 : i32
      %dma_wait3A_289 = arith.constant 0 : i32
      %dma_wait3A_290 = tpu.memref_slice %arg6[%dma_wait3A_287, %dma_wait3A_288, %dma_wait3A_289] : memref<4x128x64xf32, #tpu.memory_space<vmem>> -> memref<1x128x64xf32, #tpu.memory_space<vmem>>
      %dma_wait3A_291 = tpu.memref_squeeze %dma_wait3A_290 : memref<1x128x64xf32, #tpu.memory_space<vmem>> -> memref<128x64xf32, #tpu.memory_space<vmem>>
      %dma_wait3A_292 = arith.constant 0 : i32
      %dma_wait3A_293 = tpu.memref_slice %arg5[%add3A_286, %dma_wait3A_292] : memref<200x128xi32, #tpu.memory_space<vmem>> -> memref<1x128xi32, #tpu.memory_space<vmem>>
      %dma_wait3A_294 = tpu.memref_squeeze %dma_wait3A_293 : memref<1x128xi32, #tpu.memory_space<vmem>> -> memref<128xi32, #tpu.memory_space<vmem>>
      %dma_wait3A_295 = arith.constant 0 : i32
      %dma_wait3A_296 = arith.constant 0 : i32
      %dma_wait3A_297 = tpu.memref_slice %arg2[%dma_wait3A_295, %dma_wait3A_296] : memref<1000000x64xf32, #tpu.memory_space<hbm>> -> memref<1000000x64xf32, #tpu.memory_space<hbm>>
      tpu.wait_indirect_dma semaphore(%arg8 : memref<!tpu.dma_semaphore, #tpu.memory_space<semaphore_mem>>) src(%dma_wait3A_297 : memref<1000000x64xf32, #tpu.memory_space<hbm>>) dst(%dma_wait3A_291 : memref<128x64xf32, #tpu.memory_space<vmem>>)
      %mul3A_298 = arith.constant 128 : i32
      %mul3A_299 = arith.muli %add3A_286, %mul3A_298 : i32
      %add3A_300 = arith.addi %mul3A_2, %mul3A_299 : i32
      %dma_start3A_301 = arith.constant 1 : i32
      %dma_start3A_302 = arith.constant 0 : i32
      %dma_start3A_303 = arith.constant 0 : i32
      %dma_start3A_304 = tpu.memref_slice %arg6[%dma_start3A_301, %dma_start3A_302, %dma_start3A_303] : memref<4x128x64xf32, #tpu.memory_space<vmem>> -> memref<1x128x64xf32, #tpu.memory_space<vmem>>
      %dma_start3A_305 = tpu.memref_squeeze %dma_start3A_304 : memref<1x128x64xf32, #tpu.memory_space<vmem>> -> memref<128x64xf32, #tpu.memory_space<vmem>>
      %dma_start3A_306 = arith.constant 0 : i32
      %dma_start3A_307 = tpu.memref_slice %arg4[%add3A_300, %dma_start3A_306] : memref<819200x128xf32, #tpu.memory_space<hbm>> -> memref<128x64xf32, #tpu.memory_space<hbm>>
      %dma_start3A_308 = arith.constant 0 : i32
      %dma_start3A_309 = tpu.memref_slice %arg4[%add3A_300, %dma_start3A_308] : memref<819200x128xf32, #tpu.memory_space<hbm>> -> memref<128x64xf32, #tpu.memory_space<hbm>>
      %dma_start3A_310 = arith.constant 0 : i32
      %dma_start3A_311 = arith.constant 0 : i32
      %dma_start3A_312 = tpu.memref_slice %arg6[%dma_start3A_301, %dma_start3A_310, %dma_start3A_311] : memref<4x128x64xf32, #tpu.memory_space<vmem>> -> memref<1x128x64xf32, #tpu.memory_space<vmem>>
      %dma_start3A_313 = tpu.memref_squeeze %dma_start3A_312 : memref<1x128x64xf32, #tpu.memory_space<vmem>> -> memref<128x64xf32, #tpu.memory_space<vmem>>
      tpu.enqueue_dma source(%dma_start3A_313 : memref<128x64xf32, #tpu.memory_space<vmem>>) target(%dma_start3A_309 : memref<128x64xf32, #tpu.memory_space<hbm>>) target_semaphore(%arg12 : memref<!tpu.dma_semaphore, #tpu.memory_space<semaphore_mem>>)
      %mul3A_314 = arith.constant 128 : i32
      %mul3A_315 = arith.muli %add3A_286, %mul3A_314 : i32
      %add3A_316 = arith.addi %mul3A_2, %mul3A_315 : i32
      %dma_wait3A_317 = arith.constant 1 : i32
      %dma_wait3A_318 = arith.constant 0 : i32
      %dma_wait3A_319 = arith.constant 0 : i32
      %dma_wait3A_320 = tpu.memref_slice %arg6[%dma_wait3A_317, %dma_wait3A_318, %dma_wait3A_319] : memref<4x128x64xf32, #tpu.memory_space<vmem>> -> memref<1x128x64xf32, #tpu.memory_space<vmem>>
      %dma_wait3A_321 = tpu.memref_squeeze %dma_wait3A_320 : memref<1x128x64xf32, #tpu.memory_space<vmem>> -> memref<128x64xf32, #tpu.memory_space<vmem>>
      %dma_wait3A_322 = arith.constant 0 : i32
      %dma_wait3A_323 = tpu.memref_slice %arg4[%add3A_316, %dma_wait3A_322] : memref<819200x128xf32, #tpu.memory_space<hbm>> -> memref<128x64xf32, #tpu.memory_space<hbm>>
      %dma_wait3A_324 = arith.constant 0 : i32
      %dma_wait3A_325 = tpu.memref_slice %arg4[%add3A_316, %dma_wait3A_324] : memref<819200x128xf32, #tpu.memory_space<hbm>> -> memref<128x64xf32, #tpu.memory_space<hbm>>
      %dma_wait3A_326 = arith.constant 0 : i32
      %dma_wait3A_327 = arith.constant 0 : i32
      %dma_wait3A_328 = tpu.memref_slice %arg6[%dma_wait3A_317, %dma_wait3A_326, %dma_wait3A_327] : memref<4x128x64xf32, #tpu.memory_space<vmem>> -> memref<1x128x64xf32, #tpu.memory_space<vmem>>
      %dma_wait3A_329 = tpu.memref_squeeze %dma_wait3A_328 : memref<1x128x64xf32, #tpu.memory_space<vmem>> -> memref<128x64xf32, #tpu.memory_space<vmem>>
      tpu.wait_dma2 semaphore(%arg12 : memref<!tpu.dma_semaphore, #tpu.memory_space<semaphore_mem>>) src(%dma_wait3A_329 : memref<128x64xf32, #tpu.memory_space<vmem>>) dst(%dma_wait3A_325 : memref<128x64xf32, #tpu.memory_space<hbm>>)
      %add3A_330 = arith.constant 4 : i32
      %add3A_331 = arith.addi %add3A_286, %add3A_330 : i32
      %dma_start3A_332 = arith.constant 1 : i32
      %dma_start3A_333 = arith.constant 0 : i32
      %dma_start3A_334 = arith.constant 0 : i32
      %dma_start3A_335 = tpu.memref_slice %arg6[%dma_start3A_332, %dma_start3A_333, %dma_start3A_334] : memref<4x128x64xf32, #tpu.memory_space<vmem>> -> memref<1x128x64xf32, #tpu.memory_space<vmem>>
      %dma_start3A_336 = tpu.memref_squeeze %dma_start3A_335 : memref<1x128x64xf32, #tpu.memory_space<vmem>> -> memref<128x64xf32, #tpu.memory_space<vmem>>
      %dma_start3A_337 = arith.constant 0 : i32
      %dma_start3A_338 = tpu.memref_slice %arg5[%add3A_331, %dma_start3A_337] : memref<200x128xi32, #tpu.memory_space<vmem>> -> memref<1x128xi32, #tpu.memory_space<vmem>>
      %dma_start3A_339 = tpu.memref_squeeze %dma_start3A_338 : memref<1x128xi32, #tpu.memory_space<vmem>> -> memref<128xi32, #tpu.memory_space<vmem>>
      %dma_start3A_340 = arith.constant 0 : i32
      %dma_start3A_341 = arith.constant 0 : i32
      %dma_start3A_342 = tpu.memref_slice %arg2[%dma_start3A_340, %dma_start3A_341] : memref<1000000x64xf32, #tpu.memory_space<hbm>> -> memref<1000000x64xf32, #tpu.memory_space<hbm>>
      tpu.enqueue_indirect_dma source(%dma_start3A_342 : memref<1000000x64xf32, #tpu.memory_space<hbm>>) target(%dma_start3A_336 : memref<128x64xf32, #tpu.memory_space<vmem>>) offsets(%dma_start3A_339 : memref<128xi32, #tpu.memory_space<vmem>>) semaphore(%arg8 : memref<!tpu.dma_semaphore, #tpu.memory_space<semaphore_mem>>)
      %mul3A_343 = arith.constant 4 : i32
      %mul3A_344 = arith.muli %scan3A_222, %mul3A_343 : i32
      %add3A_345 = arith.constant 2 : i32
      %add3A_346 = arith.addi %mul3A_344, %add3A_345 : i32
      %dma_wait3A_347 = arith.constant 2 : i32
      %dma_wait3A_348 = arith.constant 0 : i32
      %dma_wait3A_349 = arith.constant 0 : i32
      %dma_wait3A_350 = tpu.memref_slice %arg6[%dma_wait3A_347, %dma_wait3A_348, %dma_wait3A_349] : memref<4x128x64xf32, #tpu.memory_space<vmem>> -> memref<1x128x64xf32, #tpu.memory_space<vmem>>
      %dma_wait3A_351 = tpu.memref_squeeze %dma_wait3A_350 : memref<1x128x64xf32, #tpu.memory_space<vmem>> -> memref<128x64xf32, #tpu.memory_space<vmem>>
      %dma_wait3A_352 = arith.constant 0 : i32
      %dma_wait3A_353 = tpu.memref_slice %arg5[%add3A_346, %dma_wait3A_352] : memref<200x128xi32, #tpu.memory_space<vmem>> -> memref<1x128xi32, #tpu.memory_space<vmem>>
      %dma_wait3A_354 = tpu.memref_squeeze %dma_wait3A_353 : memref<1x128xi32, #tpu.memory_space<vmem>> -> memref<128xi32, #tpu.memory_space<vmem>>
      %dma_wait3A_355 = arith.constant 0 : i32
      %dma_wait3A_356 = arith.constant 0 : i32
      %dma_wait3A_357 = tpu.memref_slice %arg2[%dma_wait3A_355, %dma_wait3A_356] : memref<1000000x64xf32, #tpu.memory_space<hbm>> -> memref<1000000x64xf32, #tpu.memory_space<hbm>>
      tpu.wait_indirect_dma semaphore(%arg9 : memref<!tpu.dma_semaphore, #tpu.memory_space<semaphore_mem>>) src(%dma_wait3A_357 : memref<1000000x64xf32, #tpu.memory_space<hbm>>) dst(%dma_wait3A_351 : memref<128x64xf32, #tpu.memory_space<vmem>>)
      %mul3A_358 = arith.constant 128 : i32
      %mul3A_359 = arith.muli %add3A_346, %mul3A_358 : i32
      %add3A_360 = arith.addi %mul3A_2, %mul3A_359 : i32
      %dma_start3A_361 = arith.constant 2 : i32
      %dma_start3A_362 = arith.constant 0 : i32
      %dma_start3A_363 = arith.constant 0 : i32
      %dma_start3A_364 = tpu.memref_slice %arg6[%dma_start3A_361, %dma_start3A_362, %dma_start3A_363] : memref<4x128x64xf32, #tpu.memory_space<vmem>> -> memref<1x128x64xf32, #tpu.memory_space<vmem>>
      %dma_start3A_365 = tpu.memref_squeeze %dma_start3A_364 : memref<1x128x64xf32, #tpu.memory_space<vmem>> -> memref<128x64xf32, #tpu.memory_space<vmem>>
      %dma_start3A_366 = arith.constant 0 : i32
      %dma_start3A_367 = tpu.memref_slice %arg4[%add3A_360, %dma_start3A_366] : memref<819200x128xf32, #tpu.memory_space<hbm>> -> memref<128x64xf32, #tpu.memory_space<hbm>>
      %dma_start3A_368 = arith.constant 0 : i32
      %dma_start3A_369 = tpu.memref_slice %arg4[%add3A_360, %dma_start3A_368] : memref<819200x128xf32, #tpu.memory_space<hbm>> -> memref<128x64xf32, #tpu.memory_space<hbm>>
      %dma_start3A_370 = arith.constant 0 : i32
      %dma_start3A_371 = arith.constant 0 : i32
      %dma_start3A_372 = tpu.memref_slice %arg6[%dma_start3A_361, %dma_start3A_370, %dma_start3A_371] : memref<4x128x64xf32, #tpu.memory_space<vmem>> -> memref<1x128x64xf32, #tpu.memory_space<vmem>>
      %dma_start3A_373 = tpu.memref_squeeze %dma_start3A_372 : memref<1x128x64xf32, #tpu.memory_space<vmem>> -> memref<128x64xf32, #tpu.memory_space<vmem>>
      tpu.enqueue_dma source(%dma_start3A_373 : memref<128x64xf32, #tpu.memory_space<vmem>>) target(%dma_start3A_369 : memref<128x64xf32, #tpu.memory_space<hbm>>) target_semaphore(%arg13 : memref<!tpu.dma_semaphore, #tpu.memory_space<semaphore_mem>>)
      %mul3A_374 = arith.constant 128 : i32
      %mul3A_375 = arith.muli %add3A_346, %mul3A_374 : i32
      %add3A_376 = arith.addi %mul3A_2, %mul3A_375 : i32
      %dma_wait3A_377 = arith.constant 2 : i32
      %dma_wait3A_378 = arith.constant 0 : i32
      %dma_wait3A_379 = arith.constant 0 : i32
      %dma_wait3A_380 = tpu.memref_slice %arg6[%dma_wait3A_377, %dma_wait3A_378, %dma_wait3A_379] : memref<4x128x64xf32, #tpu.memory_space<vmem>> -> memref<1x128x64xf32, #tpu.memory_space<vmem>>
      %dma_wait3A_381 = tpu.memref_squeeze %dma_wait3A_380 : memref<1x128x64xf32, #tpu.memory_space<vmem>> -> memref<128x64xf32, #tpu.memory_space<vmem>>
      %dma_wait3A_382 = arith.constant 0 : i32
      %dma_wait3A_383 = tpu.memref_slice %arg4[%add3A_376, %dma_wait3A_382] : memref<819200x128xf32, #tpu.memory_space<hbm>> -> memref<128x64xf32, #tpu.memory_space<hbm>>
      %dma_wait3A_384 = arith.constant 0 : i32
      %dma_wait3A_385 = tpu.memref_slice %arg4[%add3A_376, %dma_wait3A_384] : memref<819200x128xf32, #tpu.memory_space<hbm>> -> memref<128x64xf32, #tpu.memory_space<hbm>>
      %dma_wait3A_386 = arith.constant 0 : i32
      %dma_wait3A_387 = arith.constant 0 : i32
      %dma_wait3A_388 = tpu.memref_slice %arg6[%dma_wait3A_377, %dma_wait3A_386, %dma_wait3A_387] : memref<4x128x64xf32, #tpu.memory_space<vmem>> -> memref<1x128x64xf32, #tpu.memory_space<vmem>>
      %dma_wait3A_389 = tpu.memref_squeeze %dma_wait3A_388 : memref<1x128x64xf32, #tpu.memory_space<vmem>> -> memref<128x64xf32, #tpu.memory_space<vmem>>
      tpu.wait_dma2 semaphore(%arg13 : memref<!tpu.dma_semaphore, #tpu.memory_space<semaphore_mem>>) src(%dma_wait3A_389 : memref<128x64xf32, #tpu.memory_space<vmem>>) dst(%dma_wait3A_385 : memref<128x64xf32, #tpu.memory_space<hbm>>)
      %add3A_390 = arith.constant 4 : i32
      %add3A_391 = arith.addi %add3A_346, %add3A_390 : i32
      %dma_start3A_392 = arith.constant 2 : i32
      %dma_start3A_393 = arith.constant 0 : i32
      %dma_start3A_394 = arith.constant 0 : i32
      %dma_start3A_395 = tpu.memref_slice %arg6[%dma_start3A_392, %dma_start3A_393, %dma_start3A_394] : memref<4x128x64xf32, #tpu.memory_space<vmem>> -> memref<1x128x64xf32, #tpu.memory_space<vmem>>
      %dma_start3A_396 = tpu.memref_squeeze %dma_start3A_395 : memref<1x128x64xf32, #tpu.memory_space<vmem>> -> memref<128x64xf32, #tpu.memory_space<vmem>>
      %dma_start3A_397 = arith.constant 0 : i32
      %dma_start3A_398 = tpu.memref_slice %arg5[%add3A_391, %dma_start3A_397] : memref<200x128xi32, #tpu.memory_space<vmem>> -> memref<1x128xi32, #tpu.memory_space<vmem>>
      %dma_start3A_399 = tpu.memref_squeeze %dma_start3A_398 : memref<1x128xi32, #tpu.memory_space<vmem>> -> memref<128xi32, #tpu.memory_space<vmem>>
      %dma_start3A_400 = arith.constant 0 : i32
      %dma_start3A_401 = arith.constant 0 : i32
      %dma_start3A_402 = tpu.memref_slice %arg2[%dma_start3A_400, %dma_start3A_401] : memref<1000000x64xf32, #tpu.memory_space<hbm>> -> memref<1000000x64xf32, #tpu.memory_space<hbm>>
      tpu.enqueue_indirect_dma source(%dma_start3A_402 : memref<1000000x64xf32, #tpu.memory_space<hbm>>) target(%dma_start3A_396 : memref<128x64xf32, #tpu.memory_space<vmem>>) offsets(%dma_start3A_399 : memref<128xi32, #tpu.memory_space<vmem>>) semaphore(%arg9 : memref<!tpu.dma_semaphore, #tpu.memory_space<semaphore_mem>>)
      %mul3A_403 = arith.constant 4 : i32
      %mul3A_404 = arith.muli %scan3A_222, %mul3A_403 : i32
      %add3A_405 = arith.constant 3 : i32
      %add3A_406 = arith.addi %mul3A_404, %add3A_405 : i32
      %dma_wait3A_407 = arith.constant 3 : i32
      %dma_wait3A_408 = arith.constant 0 : i32
      %dma_wait3A_409 = arith.constant 0 : i32
      %dma_wait3A_410 = tpu.memref_slice %arg6[%dma_wait3A_407, %dma_wait3A_408, %dma_wait3A_409] : memref<4x128x64xf32, #tpu.memory_space<vmem>> -> memref<1x128x64xf32, #tpu.memory_space<vmem>>
      %dma_wait3A_411 = tpu.memref_squeeze %dma_wait3A_410 : memref<1x128x64xf32, #tpu.memory_space<vmem>> -> memref<128x64xf32, #tpu.memory_space<vmem>>
      %dma_wait3A_412 = arith.constant 0 : i32
      %dma_wait3A_413 = tpu.memref_slice %arg5[%add3A_406, %dma_wait3A_412] : memref<200x128xi32, #tpu.memory_space<vmem>> -> memref<1x128xi32, #tpu.memory_space<vmem>>
      %dma_wait3A_414 = tpu.memref_squeeze %dma_wait3A_413 : memref<1x128xi32, #tpu.memory_space<vmem>> -> memref<128xi32, #tpu.memory_space<vmem>>
      %dma_wait3A_415 = arith.constant 0 : i32
      %dma_wait3A_416 = arith.constant 0 : i32
      %dma_wait3A_417 = tpu.memref_slice %arg2[%dma_wait3A_415, %dma_wait3A_416] : memref<1000000x64xf32, #tpu.memory_space<hbm>> -> memref<1000000x64xf32, #tpu.memory_space<hbm>>
      tpu.wait_indirect_dma semaphore(%arg10 : memref<!tpu.dma_semaphore, #tpu.memory_space<semaphore_mem>>) src(%dma_wait3A_417 : memref<1000000x64xf32, #tpu.memory_space<hbm>>) dst(%dma_wait3A_411 : memref<128x64xf32, #tpu.memory_space<vmem>>)
      %mul3A_418 = arith.constant 128 : i32
      %mul3A_419 = arith.muli %add3A_406, %mul3A_418 : i32
      %add3A_420 = arith.addi %mul3A_2, %mul3A_419 : i32
      %dma_start3A_421 = arith.constant 3 : i32
      %dma_start3A_422 = arith.constant 0 : i32
      %dma_start3A_423 = arith.constant 0 : i32
      %dma_start3A_424 = tpu.memref_slice %arg6[%dma_start3A_421, %dma_start3A_422, %dma_start3A_423] : memref<4x128x64xf32, #tpu.memory_space<vmem>> -> memref<1x128x64xf32, #tpu.memory_space<vmem>>
      %dma_start3A_425 = tpu.memref_squeeze %dma_start3A_424 : memref<1x128x64xf32, #tpu.memory_space<vmem>> -> memref<128x64xf32, #tpu.memory_space<vmem>>
      %dma_start3A_426 = arith.constant 0 : i32
      %dma_start3A_427 = tpu.memref_slice %arg4[%add3A_420, %dma_start3A_426] : memref<819200x128xf32, #tpu.memory_space<hbm>> -> memref<128x64xf32, #tpu.memory_space<hbm>>
      %dma_start3A_428 = arith.constant 0 : i32
      %dma_start3A_429 = tpu.memref_slice %arg4[%add3A_420, %dma_start3A_428] : memref<819200x128xf32, #tpu.memory_space<hbm>> -> memref<128x64xf32, #tpu.memory_space<hbm>>
      %dma_start3A_430 = arith.constant 0 : i32
      %dma_start3A_431 = arith.constant 0 : i32
      %dma_start3A_432 = tpu.memref_slice %arg6[%dma_start3A_421, %dma_start3A_430, %dma_start3A_431] : memref<4x128x64xf32, #tpu.memory_space<vmem>> -> memref<1x128x64xf32, #tpu.memory_space<vmem>>
      %dma_start3A_433 = tpu.memref_squeeze %dma_start3A_432 : memref<1x128x64xf32, #tpu.memory_space<vmem>> -> memref<128x64xf32, #tpu.memory_space<vmem>>
      tpu.enqueue_dma source(%dma_start3A_433 : memref<128x64xf32, #tpu.memory_space<vmem>>) target(%dma_start3A_429 : memref<128x64xf32, #tpu.memory_space<hbm>>) target_semaphore(%arg14 : memref<!tpu.dma_semaphore, #tpu.memory_space<semaphore_mem>>)
      %mul3A_434 = arith.constant 128 : i32
      %mul3A_435 = arith.muli %add3A_406, %mul3A_434 : i32
      %add3A_436 = arith.addi %mul3A_2, %mul3A_435 : i32
      %dma_wait3A_437 = arith.constant 3 : i32
      %dma_wait3A_438 = arith.constant 0 : i32
      %dma_wait3A_439 = arith.constant 0 : i32
      %dma_wait3A_440 = tpu.memref_slice %arg6[%dma_wait3A_437, %dma_wait3A_438, %dma_wait3A_439] : memref<4x128x64xf32, #tpu.memory_space<vmem>> -> memref<1x128x64xf32, #tpu.memory_space<vmem>>
      %dma_wait3A_441 = tpu.memref_squeeze %dma_wait3A_440 : memref<1x128x64xf32, #tpu.memory_space<vmem>> -> memref<128x64xf32, #tpu.memory_space<vmem>>
      %dma_wait3A_442 = arith.constant 0 : i32
      %dma_wait3A_443 = tpu.memref_slice %arg4[%add3A_436, %dma_wait3A_442] : memref<819200x128xf32, #tpu.memory_space<hbm>> -> memref<128x64xf32, #tpu.memory_space<hbm>>
      %dma_wait3A_444 = arith.constant 0 : i32
      %dma_wait3A_445 = tpu.memref_slice %arg4[%add3A_436, %dma_wait3A_444] : memref<819200x128xf32, #tpu.memory_space<hbm>> -> memref<128x64xf32, #tpu.memory_space<hbm>>
      %dma_wait3A_446 = arith.constant 0 : i32
      %dma_wait3A_447 = arith.constant 0 : i32
      %dma_wait3A_448 = tpu.memref_slice %arg6[%dma_wait3A_437, %dma_wait3A_446, %dma_wait3A_447] : memref<4x128x64xf32, #tpu.memory_space<vmem>> -> memref<1x128x64xf32, #tpu.memory_space<vmem>>
      %dma_wait3A_449 = tpu.memref_squeeze %dma_wait3A_448 : memref<1x128x64xf32, #tpu.memory_space<vmem>> -> memref<128x64xf32, #tpu.memory_space<vmem>>
      tpu.wait_dma2 semaphore(%arg14 : memref<!tpu.dma_semaphore, #tpu.memory_space<semaphore_mem>>) src(%dma_wait3A_449 : memref<128x64xf32, #tpu.memory_space<vmem>>) dst(%dma_wait3A_445 : memref<128x64xf32, #tpu.memory_space<hbm>>)
      %add3A_450 = arith.constant 4 : i32
      %add3A_451 = arith.addi %add3A_406, %add3A_450 : i32
      %dma_start3A_452 = arith.constant 3 : i32
      %dma_start3A_453 = arith.constant 0 : i32
      %dma_start3A_454 = arith.constant 0 : i32
      %dma_start3A_455 = tpu.memref_slice %arg6[%dma_start3A_452, %dma_start3A_453, %dma_start3A_454] : memref<4x128x64xf32, #tpu.memory_space<vmem>> -> memref<1x128x64xf32, #tpu.memory_space<vmem>>
      %dma_start3A_456 = tpu.memref_squeeze %dma_start3A_455 : memref<1x128x64xf32, #tpu.memory_space<vmem>> -> memref<128x64xf32, #tpu.memory_space<vmem>>
      %dma_start3A_457 = arith.constant 0 : i32
      %dma_start3A_458 = tpu.memref_slice %arg5[%add3A_451, %dma_start3A_457] : memref<200x128xi32, #tpu.memory_space<vmem>> -> memref<1x128xi32, #tpu.memory_space<vmem>>
      %dma_start3A_459 = tpu.memref_squeeze %dma_start3A_458 : memref<1x128xi32, #tpu.memory_space<vmem>> -> memref<128xi32, #tpu.memory_space<vmem>>
      %dma_start3A_460 = arith.constant 0 : i32
      %dma_start3A_461 = arith.constant 0 : i32
      %dma_start3A_462 = tpu.memref_slice %arg2[%dma_start3A_460, %dma_start3A_461] : memref<1000000x64xf32, #tpu.memory_space<hbm>> -> memref<1000000x64xf32, #tpu.memory_space<hbm>>
      tpu.enqueue_indirect_dma source(%dma_start3A_462 : memref<1000000x64xf32, #tpu.memory_space<hbm>>) target(%dma_start3A_456 : memref<128x64xf32, #tpu.memory_space<vmem>>) offsets(%dma_start3A_459 : memref<128xi32, #tpu.memory_space<vmem>>) semaphore(%arg10 : memref<!tpu.dma_semaphore, #tpu.memory_space<semaphore_mem>>)
    }
    %scan3A_54 = arith.constant 49 : i32
    %dma_wait3A = arith.constant 196 : i32
    %dma_wait3A_55 = arith.constant 0 : i32
    %dma_wait3A_56 = arith.constant 0 : i32
    %dma_wait3A_57 = arith.constant 0 : i32
    %dma_wait3A_58 = tpu.memref_slice %arg6[%dma_wait3A_55, %dma_wait3A_56, %dma_wait3A_57] : memref<4x128x64xf32, #tpu.memory_space<vmem>> -> memref<1x128x64xf32, #tpu.memory_space<vmem>>
    %dma_wait3A_59 = tpu.memref_squeeze %dma_wait3A_58 : memref<1x128x64xf32, #tpu.memory_space<vmem>> -> memref<128x64xf32, #tpu.memory_space<vmem>>
    %dma_wait3A_60 = arith.constant 0 : i32
    %dma_wait3A_61 = tpu.memref_slice %arg5[%dma_wait3A, %dma_wait3A_60] : memref<200x128xi32, #tpu.memory_space<vmem>> -> memref<1x128xi32, #tpu.memory_space<vmem>>
    %dma_wait3A_62 = tpu.memref_squeeze %dma_wait3A_61 : memref<1x128xi32, #tpu.memory_space<vmem>> -> memref<128xi32, #tpu.memory_space<vmem>>
    %dma_wait3A_63 = arith.constant 0 : i32
    %dma_wait3A_64 = arith.constant 0 : i32
    %dma_wait3A_65 = tpu.memref_slice %arg2[%dma_wait3A_63, %dma_wait3A_64] : memref<1000000x64xf32, #tpu.memory_space<hbm>> -> memref<1000000x64xf32, #tpu.memory_space<hbm>>
    tpu.wait_indirect_dma semaphore(%arg7 : memref<!tpu.dma_semaphore, #tpu.memory_space<semaphore_mem>>) src(%dma_wait3A_65 : memref<1000000x64xf32, #tpu.memory_space<hbm>>) dst(%dma_wait3A_59 : memref<128x64xf32, #tpu.memory_space<vmem>>)
    %add3A_66 = arith.constant 25088 : i32
    %add3A_67 = arith.addi %mul3A_2, %add3A_66 : i32
    %dma_start3A_68 = arith.constant 0 : i32
    %dma_start3A_69 = arith.constant 0 : i32
    %dma_start3A_70 = arith.constant 0 : i32
    %dma_start3A_71 = tpu.memref_slice %arg6[%dma_start3A_68, %dma_start3A_69, %dma_start3A_70] : memref<4x128x64xf32, #tpu.memory_space<vmem>> -> memref<1x128x64xf32, #tpu.memory_space<vmem>>
    %dma_start3A_72 = tpu.memref_squeeze %dma_start3A_71 : memref<1x128x64xf32, #tpu.memory_space<vmem>> -> memref<128x64xf32, #tpu.memory_space<vmem>>
    %dma_start3A_73 = arith.constant 0 : i32
    %dma_start3A_74 = tpu.memref_slice %arg4[%add3A_67, %dma_start3A_73] : memref<819200x128xf32, #tpu.memory_space<hbm>> -> memref<128x64xf32, #tpu.memory_space<hbm>>
    %dma_start3A_75 = arith.constant 0 : i32
    %dma_start3A_76 = tpu.memref_slice %arg4[%add3A_67, %dma_start3A_75] : memref<819200x128xf32, #tpu.memory_space<hbm>> -> memref<128x64xf32, #tpu.memory_space<hbm>>
    %dma_start3A_77 = arith.constant 0 : i32
    %dma_start3A_78 = arith.constant 0 : i32
    %dma_start3A_79 = tpu.memref_slice %arg6[%dma_start3A_68, %dma_start3A_77, %dma_start3A_78] : memref<4x128x64xf32, #tpu.memory_space<vmem>> -> memref<1x128x64xf32, #tpu.memory_space<vmem>>
    %dma_start3A_80 = tpu.memref_squeeze %dma_start3A_79 : memref<1x128x64xf32, #tpu.memory_space<vmem>> -> memref<128x64xf32, #tpu.memory_space<vmem>>
    tpu.enqueue_dma source(%dma_start3A_80 : memref<128x64xf32, #tpu.memory_space<vmem>>) target(%dma_start3A_76 : memref<128x64xf32, #tpu.memory_space<hbm>>) target_semaphore(%arg11 : memref<!tpu.dma_semaphore, #tpu.memory_space<semaphore_mem>>)
    %dma_wait3A_81 = arith.constant 197 : i32
    %dma_wait3A_82 = arith.constant 1 : i32
    %dma_wait3A_83 = arith.constant 0 : i32
    %dma_wait3A_84 = arith.constant 0 : i32
    %dma_wait3A_85 = tpu.memref_slice %arg6[%dma_wait3A_82, %dma_wait3A_83, %dma_wait3A_84] : memref<4x128x64xf32, #tpu.memory_space<vmem>> -> memref<1x128x64xf32, #tpu.memory_space<vmem>>
    %dma_wait3A_86 = tpu.memref_squeeze %dma_wait3A_85 : memref<1x128x64xf32, #tpu.memory_space<vmem>> -> memref<128x64xf32, #tpu.memory_space<vmem>>
    %dma_wait3A_87 = arith.constant 0 : i32
    %dma_wait3A_88 = tpu.memref_slice %arg5[%dma_wait3A_81, %dma_wait3A_87] : memref<200x128xi32, #tpu.memory_space<vmem>> -> memref<1x128xi32, #tpu.memory_space<vmem>>
    %dma_wait3A_89 = tpu.memref_squeeze %dma_wait3A_88 : memref<1x128xi32, #tpu.memory_space<vmem>> -> memref<128xi32, #tpu.memory_space<vmem>>
    %dma_wait3A_90 = arith.constant 0 : i32
    %dma_wait3A_91 = arith.constant 0 : i32
    %dma_wait3A_92 = tpu.memref_slice %arg2[%dma_wait3A_90, %dma_wait3A_91] : memref<1000000x64xf32, #tpu.memory_space<hbm>> -> memref<1000000x64xf32, #tpu.memory_space<hbm>>
    tpu.wait_indirect_dma semaphore(%arg8 : memref<!tpu.dma_semaphore, #tpu.memory_space<semaphore_mem>>) src(%dma_wait3A_92 : memref<1000000x64xf32, #tpu.memory_space<hbm>>) dst(%dma_wait3A_86 : memref<128x64xf32, #tpu.memory_space<vmem>>)
    %add3A_93 = arith.constant 25216 : i32
    %add3A_94 = arith.addi %mul3A_2, %add3A_93 : i32
    %dma_start3A_95 = arith.constant 1 : i32
    %dma_start3A_96 = arith.constant 0 : i32
    %dma_start3A_97 = arith.constant 0 : i32
    %dma_start3A_98 = tpu.memref_slice %arg6[%dma_start3A_95, %dma_start3A_96, %dma_start3A_97] : memref<4x128x64xf32, #tpu.memory_space<vmem>> -> memref<1x128x64xf32, #tpu.memory_space<vmem>>
    %dma_start3A_99 = tpu.memref_squeeze %dma_start3A_98 : memref<1x128x64xf32, #tpu.memory_space<vmem>> -> memref<128x64xf32, #tpu.memory_space<vmem>>
    %dma_start3A_100 = arith.constant 0 : i32
    %dma_start3A_101 = tpu.memref_slice %arg4[%add3A_94, %dma_start3A_100] : memref<819200x128xf32, #tpu.memory_space<hbm>> -> memref<128x64xf32, #tpu.memory_space<hbm>>
    %dma_start3A_102 = arith.constant 0 : i32
    %dma_start3A_103 = tpu.memref_slice %arg4[%add3A_94, %dma_start3A_102] : memref<819200x128xf32, #tpu.memory_space<hbm>> -> memref<128x64xf32, #tpu.memory_space<hbm>>
    %dma_start3A_104 = arith.constant 0 : i32
    %dma_start3A_105 = arith.constant 0 : i32
    %dma_start3A_106 = tpu.memref_slice %arg6[%dma_start3A_95, %dma_start3A_104, %dma_start3A_105] : memref<4x128x64xf32, #tpu.memory_space<vmem>> -> memref<1x128x64xf32, #tpu.memory_space<vmem>>
    %dma_start3A_107 = tpu.memref_squeeze %dma_start3A_106 : memref<1x128x64xf32, #tpu.memory_space<vmem>> -> memref<128x64xf32, #tpu.memory_space<vmem>>
    tpu.enqueue_dma source(%dma_start3A_107 : memref<128x64xf32, #tpu.memory_space<vmem>>) target(%dma_start3A_103 : memref<128x64xf32, #tpu.memory_space<hbm>>) target_semaphore(%arg12 : memref<!tpu.dma_semaphore, #tpu.memory_space<semaphore_mem>>)
    %dma_wait3A_108 = arith.constant 198 : i32
    %dma_wait3A_109 = arith.constant 2 : i32
    %dma_wait3A_110 = arith.constant 0 : i32
    %dma_wait3A_111 = arith.constant 0 : i32
    %dma_wait3A_112 = tpu.memref_slice %arg6[%dma_wait3A_109, %dma_wait3A_110, %dma_wait3A_111] : memref<4x128x64xf32, #tpu.memory_space<vmem>> -> memref<1x128x64xf32, #tpu.memory_space<vmem>>
    %dma_wait3A_113 = tpu.memref_squeeze %dma_wait3A_112 : memref<1x128x64xf32, #tpu.memory_space<vmem>> -> memref<128x64xf32, #tpu.memory_space<vmem>>
    %dma_wait3A_114 = arith.constant 0 : i32
    %dma_wait3A_115 = tpu.memref_slice %arg5[%dma_wait3A_108, %dma_wait3A_114] : memref<200x128xi32, #tpu.memory_space<vmem>> -> memref<1x128xi32, #tpu.memory_space<vmem>>
    %dma_wait3A_116 = tpu.memref_squeeze %dma_wait3A_115 : memref<1x128xi32, #tpu.memory_space<vmem>> -> memref<128xi32, #tpu.memory_space<vmem>>
    %dma_wait3A_117 = arith.constant 0 : i32
    %dma_wait3A_118 = arith.constant 0 : i32
    %dma_wait3A_119 = tpu.memref_slice %arg2[%dma_wait3A_117, %dma_wait3A_118] : memref<1000000x64xf32, #tpu.memory_space<hbm>> -> memref<1000000x64xf32, #tpu.memory_space<hbm>>
    tpu.wait_indirect_dma semaphore(%arg9 : memref<!tpu.dma_semaphore, #tpu.memory_space<semaphore_mem>>) src(%dma_wait3A_119 : memref<1000000x64xf32, #tpu.memory_space<hbm>>) dst(%dma_wait3A_113 : memref<128x64xf32, #tpu.memory_space<vmem>>)
    %add3A_120 = arith.constant 25344 : i32
    %add3A_121 = arith.addi %mul3A_2, %add3A_120 : i32
    %dma_start3A_122 = arith.constant 2 : i32
    %dma_start3A_123 = arith.constant 0 : i32
    %dma_start3A_124 = arith.constant 0 : i32
    %dma_start3A_125 = tpu.memref_slice %arg6[%dma_start3A_122, %dma_start3A_123, %dma_start3A_124] : memref<4x128x64xf32, #tpu.memory_space<vmem>> -> memref<1x128x64xf32, #tpu.memory_space<vmem>>
    %dma_start3A_126 = tpu.memref_squeeze %dma_start3A_125 : memref<1x128x64xf32, #tpu.memory_space<vmem>> -> memref<128x64xf32, #tpu.memory_space<vmem>>
    %dma_start3A_127 = arith.constant 0 : i32
    %dma_start3A_128 = tpu.memref_slice %arg4[%add3A_121, %dma_start3A_127] : memref<819200x128xf32, #tpu.memory_space<hbm>> -> memref<128x64xf32, #tpu.memory_space<hbm>>
    %dma_start3A_129 = arith.constant 0 : i32
    %dma_start3A_130 = tpu.memref_slice %arg4[%add3A_121, %dma_start3A_129] : memref<819200x128xf32, #tpu.memory_space<hbm>> -> memref<128x64xf32, #tpu.memory_space<hbm>>
    %dma_start3A_131 = arith.constant 0 : i32
    %dma_start3A_132 = arith.constant 0 : i32
    %dma_start3A_133 = tpu.memref_slice %arg6[%dma_start3A_122, %dma_start3A_131, %dma_start3A_132] : memref<4x128x64xf32, #tpu.memory_space<vmem>> -> memref<1x128x64xf32, #tpu.memory_space<vmem>>
    %dma_start3A_134 = tpu.memref_squeeze %dma_start3A_133 : memref<1x128x64xf32, #tpu.memory_space<vmem>> -> memref<128x64xf32, #tpu.memory_space<vmem>>
    tpu.enqueue_dma source(%dma_start3A_134 : memref<128x64xf32, #tpu.memory_space<vmem>>) target(%dma_start3A_130 : memref<128x64xf32, #tpu.memory_space<hbm>>) target_semaphore(%arg13 : memref<!tpu.dma_semaphore, #tpu.memory_space<semaphore_mem>>)
    %dma_wait3A_135 = arith.constant 199 : i32
    %dma_wait3A_136 = arith.constant 3 : i32
    %dma_wait3A_137 = arith.constant 0 : i32
    %dma_wait3A_138 = arith.constant 0 : i32
    %dma_wait3A_139 = tpu.memref_slice %arg6[%dma_wait3A_136, %dma_wait3A_137, %dma_wait3A_138] : memref<4x128x64xf32, #tpu.memory_space<vmem>> -> memref<1x128x64xf32, #tpu.memory_space<vmem>>
    %dma_wait3A_140 = tpu.memref_squeeze %dma_wait3A_139 : memref<1x128x64xf32, #tpu.memory_space<vmem>> -> memref<128x64xf32, #tpu.memory_space<vmem>>
    %dma_wait3A_141 = arith.constant 0 : i32
    %dma_wait3A_142 = tpu.memref_slice %arg5[%dma_wait3A_135, %dma_wait3A_141] : memref<200x128xi32, #tpu.memory_space<vmem>> -> memref<1x128xi32, #tpu.memory_space<vmem>>
    %dma_wait3A_143 = tpu.memref_squeeze %dma_wait3A_142 : memref<1x128xi32, #tpu.memory_space<vmem>> -> memref<128xi32, #tpu.memory_space<vmem>>
    %dma_wait3A_144 = arith.constant 0 : i32
    %dma_wait3A_145 = arith.constant 0 : i32
    %dma_wait3A_146 = tpu.memref_slice %arg2[%dma_wait3A_144, %dma_wait3A_145] : memref<1000000x64xf32, #tpu.memory_space<hbm>> -> memref<1000000x64xf32, #tpu.memory_space<hbm>>
    tpu.wait_indirect_dma semaphore(%arg10 : memref<!tpu.dma_semaphore, #tpu.memory_space<semaphore_mem>>) src(%dma_wait3A_146 : memref<1000000x64xf32, #tpu.memory_space<hbm>>) dst(%dma_wait3A_140 : memref<128x64xf32, #tpu.memory_space<vmem>>)
    %add3A_147 = arith.constant 25472 : i32
    %add3A_148 = arith.addi %mul3A_2, %add3A_147 : i32
    %dma_start3A_149 = arith.constant 3 : i32
    %dma_start3A_150 = arith.constant 0 : i32
    %dma_start3A_151 = arith.constant 0 : i32
    %dma_start3A_152 = tpu.memref_slice %arg6[%dma_start3A_149, %dma_start3A_150, %dma_start3A_151] : memref<4x128x64xf32, #tpu.memory_space<vmem>> -> memref<1x128x64xf32, #tpu.memory_space<vmem>>
    %dma_start3A_153 = tpu.memref_squeeze %dma_start3A_152 : memref<1x128x64xf32, #tpu.memory_space<vmem>> -> memref<128x64xf32, #tpu.memory_space<vmem>>
    %dma_start3A_154 = arith.constant 0 : i32
    %dma_start3A_155 = tpu.memref_slice %arg4[%add3A_148, %dma_start3A_154] : memref<819200x128xf32, #tpu.memory_space<hbm>> -> memref<128x64xf32, #tpu.memory_space<hbm>>
    %dma_start3A_156 = arith.constant 0 : i32
    %dma_start3A_157 = tpu.memref_slice %arg4[%add3A_148, %dma_start3A_156] : memref<819200x128xf32, #tpu.memory_space<hbm>> -> memref<128x64xf32, #tpu.memory_space<hbm>>
    %dma_start3A_158 = arith.constant 0 : i32
    %dma_start3A_159 = arith.constant 0 : i32
    %dma_start3A_160 = tpu.memref_slice %arg6[%dma_start3A_149, %dma_start3A_158, %dma_start3A_159] : memref<4x128x64xf32, #tpu.memory_space<vmem>> -> memref<1x128x64xf32, #tpu.memory_space<vmem>>
    %dma_start3A_161 = tpu.memref_squeeze %dma_start3A_160 : memref<1x128x64xf32, #tpu.memory_space<vmem>> -> memref<128x64xf32, #tpu.memory_space<vmem>>
    tpu.enqueue_dma source(%dma_start3A_161 : memref<128x64xf32, #tpu.memory_space<vmem>>) target(%dma_start3A_157 : memref<128x64xf32, #tpu.memory_space<hbm>>) target_semaphore(%arg14 : memref<!tpu.dma_semaphore, #tpu.memory_space<semaphore_mem>>)
    %add3A_162 = arith.constant 25088 : i32
    %add3A_163 = arith.addi %mul3A_2, %add3A_162 : i32
    %dma_wait3A_164 = arith.constant 0 : i32
    %dma_wait3A_165 = arith.constant 0 : i32
    %dma_wait3A_166 = arith.constant 0 : i32
    %dma_wait3A_167 = tpu.memref_slice %arg6[%dma_wait3A_164, %dma_wait3A_165, %dma_wait3A_166] : memref<4x128x64xf32, #tpu.memory_space<vmem>> -> memref<1x128x64xf32, #tpu.memory_space<vmem>>
    %dma_wait3A_168 = tpu.memref_squeeze %dma_wait3A_167 : memref<1x128x64xf32, #tpu.memory_space<vmem>> -> memref<128x64xf32, #tpu.memory_space<vmem>>
    %dma_wait3A_169 = arith.constant 0 : i32
    %dma_wait3A_170 = tpu.memref_slice %arg4[%add3A_163, %dma_wait3A_169] : memref<819200x128xf32, #tpu.memory_space<hbm>> -> memref<128x64xf32, #tpu.memory_space<hbm>>
    %dma_wait3A_171 = arith.constant 0 : i32
    %dma_wait3A_172 = tpu.memref_slice %arg4[%add3A_163, %dma_wait3A_171] : memref<819200x128xf32, #tpu.memory_space<hbm>> -> memref<128x64xf32, #tpu.memory_space<hbm>>
    %dma_wait3A_173 = arith.constant 0 : i32
    %dma_wait3A_174 = arith.constant 0 : i32
    %dma_wait3A_175 = tpu.memref_slice %arg6[%dma_wait3A_164, %dma_wait3A_173, %dma_wait3A_174] : memref<4x128x64xf32, #tpu.memory_space<vmem>> -> memref<1x128x64xf32, #tpu.memory_space<vmem>>
    %dma_wait3A_176 = tpu.memref_squeeze %dma_wait3A_175 : memref<1x128x64xf32, #tpu.memory_space<vmem>> -> memref<128x64xf32, #tpu.memory_space<vmem>>
    tpu.wait_dma2 semaphore(%arg11 : memref<!tpu.dma_semaphore, #tpu.memory_space<semaphore_mem>>) src(%dma_wait3A_176 : memref<128x64xf32, #tpu.memory_space<vmem>>) dst(%dma_wait3A_172 : memref<128x64xf32, #tpu.memory_space<hbm>>)
    %add3A_177 = arith.constant 25216 : i32
    %add3A_178 = arith.addi %mul3A_2, %add3A_177 : i32
    %dma_wait3A_179 = arith.constant 1 : i32
    %dma_wait3A_180 = arith.constant 0 : i32
    %dma_wait3A_181 = arith.constant 0 : i32
    %dma_wait3A_182 = tpu.memref_slice %arg6[%dma_wait3A_179, %dma_wait3A_180, %dma_wait3A_181] : memref<4x128x64xf32, #tpu.memory_space<vmem>> -> memref<1x128x64xf32, #tpu.memory_space<vmem>>
    %dma_wait3A_183 = tpu.memref_squeeze %dma_wait3A_182 : memref<1x128x64xf32, #tpu.memory_space<vmem>> -> memref<128x64xf32, #tpu.memory_space<vmem>>
    %dma_wait3A_184 = arith.constant 0 : i32
    %dma_wait3A_185 = tpu.memref_slice %arg4[%add3A_178, %dma_wait3A_184] : memref<819200x128xf32, #tpu.memory_space<hbm>> -> memref<128x64xf32, #tpu.memory_space<hbm>>
    %dma_wait3A_186 = arith.constant 0 : i32
    %dma_wait3A_187 = tpu.memref_slice %arg4[%add3A_178, %dma_wait3A_186] : memref<819200x128xf32, #tpu.memory_space<hbm>> -> memref<128x64xf32, #tpu.memory_space<hbm>>
    %dma_wait3A_188 = arith.constant 0 : i32
    %dma_wait3A_189 = arith.constant 0 : i32
    %dma_wait3A_190 = tpu.memref_slice %arg6[%dma_wait3A_179, %dma_wait3A_188, %dma_wait3A_189] : memref<4x128x64xf32, #tpu.memory_space<vmem>> -> memref<1x128x64xf32, #tpu.memory_space<vmem>>
    %dma_wait3A_191 = tpu.memref_squeeze %dma_wait3A_190 : memref<1x128x64xf32, #tpu.memory_space<vmem>> -> memref<128x64xf32, #tpu.memory_space<vmem>>
    tpu.wait_dma2 semaphore(%arg12 : memref<!tpu.dma_semaphore, #tpu.memory_space<semaphore_mem>>) src(%dma_wait3A_191 : memref<128x64xf32, #tpu.memory_space<vmem>>) dst(%dma_wait3A_187 : memref<128x64xf32, #tpu.memory_space<hbm>>)
    %add3A_192 = arith.constant 25344 : i32
    %add3A_193 = arith.addi %mul3A_2, %add3A_192 : i32
    %dma_wait3A_194 = arith.constant 2 : i32
    %dma_wait3A_195 = arith.constant 0 : i32
    %dma_wait3A_196 = arith.constant 0 : i32
    %dma_wait3A_197 = tpu.memref_slice %arg6[%dma_wait3A_194, %dma_wait3A_195, %dma_wait3A_196] : memref<4x128x64xf32, #tpu.memory_space<vmem>> -> memref<1x128x64xf32, #tpu.memory_space<vmem>>
    %dma_wait3A_198 = tpu.memref_squeeze %dma_wait3A_197 : memref<1x128x64xf32, #tpu.memory_space<vmem>> -> memref<128x64xf32, #tpu.memory_space<vmem>>
    %dma_wait3A_199 = arith.constant 0 : i32
    %dma_wait3A_200 = tpu.memref_slice %arg4[%add3A_193, %dma_wait3A_199] : memref<819200x128xf32, #tpu.memory_space<hbm>> -> memref<128x64xf32, #tpu.memory_space<hbm>>
    %dma_wait3A_201 = arith.constant 0 : i32
    %dma_wait3A_202 = tpu.memref_slice %arg4[%add3A_193, %dma_wait3A_201] : memref<819200x128xf32, #tpu.memory_space<hbm>> -> memref<128x64xf32, #tpu.memory_space<hbm>>
    %dma_wait3A_203 = arith.constant 0 : i32
    %dma_wait3A_204 = arith.constant 0 : i32
    %dma_wait3A_205 = tpu.memref_slice %arg6[%dma_wait3A_194, %dma_wait3A_203, %dma_wait3A_204] : memref<4x128x64xf32, #tpu.memory_space<vmem>> -> memref<1x128x64xf32, #tpu.memory_space<vmem>>
    %dma_wait3A_206 = tpu.memref_squeeze %dma_wait3A_205 : memref<1x128x64xf32, #tpu.memory_space<vmem>> -> memref<128x64xf32, #tpu.memory_space<vmem>>
    tpu.wait_dma2 semaphore(%arg13 : memref<!tpu.dma_semaphore, #tpu.memory_space<semaphore_mem>>) src(%dma_wait3A_206 : memref<128x64xf32, #tpu.memory_space<vmem>>) dst(%dma_wait3A_202 : memref<128x64xf32, #tpu.memory_space<hbm>>)
    %add3A_207 = arith.constant 25472 : i32
    %add3A_208 = arith.addi %mul3A_2, %add3A_207 : i32
    %dma_wait3A_209 = arith.constant 3 : i32
    %dma_wait3A_210 = arith.constant 0 : i32
    %dma_wait3A_211 = arith.constant 0 : i32
    %dma_wait3A_212 = tpu.memref_slice %arg6[%dma_wait3A_209, %dma_wait3A_210, %dma_wait3A_211] : memref<4x128x64xf32, #tpu.memory_space<vmem>> -> memref<1x128x64xf32, #tpu.memory_space<vmem>>
    %dma_wait3A_213 = tpu.memref_squeeze %dma_wait3A_212 : memref<1x128x64xf32, #tpu.memory_space<vmem>> -> memref<128x64xf32, #tpu.memory_space<vmem>>
    %dma_wait3A_214 = arith.constant 0 : i32
    %dma_wait3A_215 = tpu.memref_slice %arg4[%add3A_208, %dma_wait3A_214] : memref<819200x128xf32, #tpu.memory_space<hbm>> -> memref<128x64xf32, #tpu.memory_space<hbm>>
    %dma_wait3A_216 = arith.constant 0 : i32
    %dma_wait3A_217 = tpu.memref_slice %arg4[%add3A_208, %dma_wait3A_216] : memref<819200x128xf32, #tpu.memory_space<hbm>> -> memref<128x64xf32, #tpu.memory_space<hbm>>
    %dma_wait3A_218 = arith.constant 0 : i32
    %dma_wait3A_219 = arith.constant 0 : i32
    %dma_wait3A_220 = tpu.memref_slice %arg6[%dma_wait3A_209, %dma_wait3A_218, %dma_wait3A_219] : memref<4x128x64xf32, #tpu.memory_space<vmem>> -> memref<1x128x64xf32, #tpu.memory_space<vmem>>
    %dma_wait3A_221 = tpu.memref_squeeze %dma_wait3A_220 : memref<1x128x64xf32, #tpu.memory_space<vmem>> -> memref<128x64xf32, #tpu.memory_space<vmem>>
    tpu.wait_dma2 semaphore(%arg14 : memref<!tpu.dma_semaphore, #tpu.memory_space<semaphore_mem>>) src(%dma_wait3A_221 : memref<128x64xf32, #tpu.memory_space<vmem>>) dst(%dma_wait3A_217 : memref<128x64xf32, #tpu.memory_space<hbm>>)
    return
  }
}

</mosaic_0001>

<sc_bundles>
// kernel: _sc_gather.3.cloned.1.call-start
scs
__scs_entry_jumppad:
0x0: {  	(pc) =	sbr.rel $0x88, $3  }
0x1: {  	(tag) =	ssettag $0x0;
	lr =	simm.s32 $0x1  }
0x2: {  	[smem:$0x3F9F] =	sst lr;
	_ =	strace $0xD0000000  }
0x3: {  	_ = 	snop  }
0x4: {  	_ = 	snop  }
0x5: {  	_ = 	snop  }
0x6: {  	_ = 	snop  }
0x7: {  	_ = 	snop  }
__scs_overlays_trampoline_lowered:
0x8: {  	[smem:$0x3FAE] =	sst s0  }
0x9: {  	[smem:$0x3FAF] =	sst s1  }
0xa: {  	[smem:$0x3FB0] =	sst s2  }
0xb: {  	[smem:$0x3FB1] =	sst s3  }
0xc: {  	[smem:$0x3FB2] =	sst s4  }
0xd: {  	[smem:$0x3FB3] =	sst s5  }
0xe: {  	[smem:$0x3FB4] =	sst s6  }
0xf: {  	[smem:$0x3FB5] =	sst s7  }
0x10: {  	[smem:$0x3FB6] =	sst s8  }
0x11: {  	[smem:$0x3FB7] =	sst s9;
	s0 =	simm.s32 @!p0 $0x0  }
0x12: {  	s1 =	sld [smem:$0x3F9D];
	s0 =	simm.s32 @p0 $0x1  }
0x13: {  	[smem:$0x3FB8] =	sst s0;
	s0 =	simm.s32 @!p1 $0x0  }
0x14: {  	s2 =	sld [smem:$0x3F9C];
	s0 =	simm.s32 @p1 $0x1  }
0x15: {  	[smem:$0x3FB9] =	sst s0;
	s0 =	simm.s32 @!p2 $0x0  }
0x16: {  	s3 =	sld [smem:$0x3FDB];
	s0 =	simm.s32 @p2 $0x1  }
0x17: {  	s4 =	simm.s32 $0x1BF5;
	[smem:$0x3FBB] =	sst s0  }
0x18: {  	s0 =	sld [smem:$0x3F9E];
	_ =	swait.ge [sflag:s4], $0x0  }
0x19: {  	s7 =	sld [smem:$0x3F9F]  }
0x1a: {  	s8 =	sadd.s32 $0xFFFFE003, lr  }
0x1b: {  	s9 =	sadd.s32 $0xFFFFFEF7, lr;
	s5 =	simm.s32 $0xFFFFFFFF;
	p2 =	slt.u32 s8, $0xFFFFF086  }
0x1c: {  	p1 =	slt.u32 s9, $0xF7A;
	s5 =	simm.s32 @!p2 $0x0  }
0x1d: {  	s5 =	simm.s32 @p1 $0x1;
	p0 =	seq.s32 s7, s2  }
0x1e: {  	s7 =	smul.u32 @!p0 $0xF7A, s2;
	p2 =	seq.s32 @!p0 s5, $0x0  }
0x1f: {  	s9 =	smul.u32 $0xF7A, s1;
	s8 =	simm.s32 @!p0 $0x1BF5;
	p2 =	por !p2, p0  }
0x20: {  	[sflag:s8] =	ssyncset.s32 @!p0 $0xFFFFF086;
	s6 =	sadd.s32 @!p0 s3, s7;
	s7 =	simm.s32 @!p0 $0x108  }
0x21: {  	s3 =	sadd.s32 s3, s9;
	s6 =	sadd.s32 @!p0 $0x88, s6;
	s7 =	simm.s32 @p2 $0x1082  }
0x22: {  	[simem:s7], [sflag:s8] =	dma.local @!p0 [hbm:s6], $0xF7A  }
0x23: {  	s9 =	sor.u32 $0xD0000000, s2;
	s6 =	simm.s32 $0x108;
	_ =	swait.ge @!p0 [sflag:s8], $0x0  }
0x24: {  	s3 =	sadd.s32 $0x88, s3;
	s6 =	simm.s32 @!p1 $0x1082;
	[sflag:s4] =	ssyncset.s32 $0xFFFFF086  }
0x25: {  	[simem:s6], [sflag:s4] =	dma.local [hbm:s3], $0xF7A  }
0x26: {  	[smem:$0x3F9F] =	sst s1;
	(tag) =	ssettag s2;
	_ =	strace s9  }
0x27: {  	s1 =	sld [smem:$0x3FAF]  }
0x28: {  	s2 =	sld [smem:$0x3FB0]  }
0x29: {  	s4 =	sld [smem:$0x3FB2]  }
0x2a: {  	p0 =	seq.s32 s5, $0x0;
	s5 =	sld [smem:$0x3FB3]  }
0x2b: {  	s6 =	sld [smem:$0x3FB4]  }
0x2c: {  	s7 =	sld [smem:$0x3FB5]  }
0x2d: {  	s3 =	simm.s32 $0x108;
	s8 =	sld [smem:$0x3FB6]  }
0x2e: {  	s3 =	simm.s32 @!p0 $0x1082;
	s9 =	sld [smem:$0x3FB7]  }
0x2f: {  	lr =	sadd.s32 s0, s3;
	s0 =	sld [smem:$0x3FAE]  }
0x30: {  	s3 =	sld [smem:$0x3FB1]  }
0x31: {  	[smem:$0x3FBA] =	sst s10  }
0x32: {  	s10 =	sld [smem:$0x3FB8];
	_ =	sdelay $0x3  }
0x33: {  	p0 =	seq.s32 s10, $0x1;
	s10 =	sld [smem:$0x3FBA];
	_ =	sdelay $0x3  }
0x34: {  	[smem:$0x3FBA] =	sst s10  }
0x35: {  	s10 =	sld [smem:$0x3FB9];
	_ =	sdelay $0x3  }
0x36: {  	p1 =	seq.s32 s10, $0x1;
	s10 =	sld [smem:$0x3FBA];
	_ =	sdelay $0x3  }
0x37: {  	[smem:$0x3FBA] =	sst s10  }
0x38: {  	s10 =	sld [smem:$0x3FBB]  }
0x39: {  	_ = 	snop;
	(pc) =	sbr.ind lr, $3  }
0x3a: {  	_ = 	snop  }
0x3b: {  	_ = 	snop  }
0x3c: {  	p2 =	seq.s32 s10, $0x1;
	s10 =	sld [smem:$0x3FBA]  }
0x3d: {  	_ =	shalt  }
0x3e: {  	_ =	shalt  }
0x3f: {  	_ =	shalt  }
0x40: {  	_ =	shalt  }
0x41: {  	_ =	shalt  }
0x42: {  	_ =	shalt  }
0x43: {  	_ =	shalt  }
0x44: {  	_ =	shalt  }
0x45: {  	_ =	shalt  }
0x46: {  	_ =	shalt  }
0x47: {  	_ =	shalt  }
0x48: {  	_ =	shalt  }
0x49: {  	_ =	shalt  }
0x4a: {  	_ =	shalt  }
0x4b: {  	_ =	shalt  }
0x4c: {  	_ =	shalt  }
0x4d: {  	_ =	shalt  }
0x4e: {  	_ =	shalt  }
0x4f: {  	_ =	shalt  }
0x50: {  	_ =	shalt  }
0x51: {  	_ =	shalt  }
0x52: {  	_ =	shalt  }
0x53: {  	_ =	shalt  }
0x54: {  	_ =	shalt  }
0x55: {  	_ =	shalt  }
0x56: {  	_ =	shalt  }
0x57: {  	_ =	shalt  }
0x58: {  	_ =	shalt  }
0x59: {  	_ =	shalt  }
0x5a: {  	_ =	shalt  }
0x5b: {  	_ =	shalt  }
0x5c: {  	_ =	shalt  }
0x5d: {  	_ =	shalt  }
0x5e: {  	_ =	shalt  }
0x5f: {  	_ =	shalt  }
0x60: {  	_ =	shalt  }
0x61: {  	_ =	shalt  }
0x62: {  	_ =	shalt  }
0x63: {  	_ =	shalt  }
0x64: {  	_ =	shalt  }
0x65: {  	_ =	shalt  }
0x66: {  	_ =	shalt  }
0x67: {  	_ =	shalt  }
0x68: {  	_ =	shalt  }
0x69: {  	_ =	shalt  }
0x6a: {  	_ =	shalt  }
0x6b: {  	_ =	shalt  }
0x6c: {  	_ =	shalt  }
0x6d: {  	_ =	shalt  }
0x6e: {  	_ =	shalt  }
0x6f: {  	_ =	shalt  }
0x70: {  	_ =	shalt  }
0x71: {  	_ =	shalt  }
0x72: {  	_ =	shalt  }
0x73: {  	_ =	shalt  }
0x74: {  	_ =	shalt  }
0x75: {  	_ =	shalt  }
0x76: {  	_ =	shalt  }
0x77: {  	_ =	shalt  }
0x78: {  	_ =	shalt  }
0x79: {  	_ =	shalt  }
0x7a: {  	_ =	shalt  }
0x7b: {  	_ =	shalt  }
0x7c: {  	_ =	shalt  }
0x7d: {  	_ =	shalt  }
0x7e: {  	_ =	shalt  }
0x7f: {  	_ =	shalt  }
0x80: {  	_ =	shalt  }
0x81: {  	_ =	shalt  }
0x82: {  	_ =	shalt  }
0x83: {  	_ =	shalt  }
0x84: {  	_ =	shalt  }
0x85: {  	_ =	shalt  }
0x86: {  	_ =	shalt  }
0x87: {  	_ =	shalt  }
.Lfunc_end0:
.L_simem_size_0:
called_computation_lowered:
.L_overlay_start_0:
0x88: {  	s2 =	sld [smem:$0x3FD9]  }
0x89: {  	s3 =	sld [smem:$0x3FFE];
	_ =	sdelay $0x1  }
0x8a: {  	s1 =	srdreg.scid  }
0x8b: {  	s0 =	sand.u32 $0x1, s1  }
0x8c: {  	s17 =	sshll.u32 s0, $0xA;
	s2 =	sadd.s32 s3, s2  }
0x8d: {  	s2 =	sadd.s32 s2, s17  }
0x8e: {  	[smem:$0x3FC6] =	sst s2  }
0x8f: {  	_ = 	snop  }
0x90: {  	s2 =	sld [smem:$0x3FC9]  }
0x91: {  	s18 =	sld [smem:$0x3FD0];
	(tm) =	ssettm $0x1  }
0x92: {  	s4 =	sld [smem:$0x3FFB];
	_ =	sdelay $0x3  }
0x93: {  	_ =	strace s4  }
0x94: {  	s4 =	sld [smem:$0x3FFC];
	_ =	sdelay $0x3  }
0x95: {  	_ =	strace s4  }
0x96: {  	s4 =	sld [smem:$0x3FFD];
	_ =	sdelay $0x3  }
0x97: {  	_ =	strace s4  }
0x98: {  	_ =	strace $0x8FFFFFFF  }
0x99: {  	s19 =	sld [smem:$0x3FDB];
	_ =	sdelay $0x1  }
0x9a: {  	s5 =	simm.s32 $_scs_section_size  }
0x9b: {  	s6 =	simm.s32 $_size__tile_overlayer_lowered;
	s7 =	simm.s32 $_tile_overlayer_lowered  }
0x9c: {  	s22 =	simm.s32 $0x1BFF;
	s21 =	sshll.u32 s7, $0x1;
	s4 =	sadd.s32 s5, s19  }
0x9d: {  	s8 =	simm.s32 $0x0;
	s20 =	sshll.u32 s6, $0x1;
	s6 =	sadd.s32 s21, s4  }
0x9e: {  	[timem:s8], [sflag:s22] =	dma.local [hbm:s6], s20  }
0x9f: {  	_ =	swait.ge [sflag:s22], s20  }
0xa0: {  	s5 =	ssub.s32 $0x0, s20;
	[sflag:s22] =	ssyncset.done $0x0  }
0xa1: {  	[sflag:s22] =	ssyncadd.s32 s5;
	_ =	sdelay $0x1  }
0xa2: {  	s23 =	simm.s32 $0x1B8B  }
0xa3: {  	_ =	swait.ge [sflag:s23], $0x1  }
0xa4: {  	[sflag:s23] =	ssyncset.done $0x0  }
0xa5: {  	s25 =	simm.s32 $0x1B8E;
	s24 =	sld [smem:$0x3FFE];
	[sflag:s23] =	ssyncadd.s32 $0xFFFFFFFF  }
0xa6: {  	s26 =	simm.s32 $execute0_lowered;
	[smem:$0x3FD2] =	sst s25  }
0xa7: {  	s6 =	sshll.u32 s26, $0x1;
	_ =	strace $0x80000046;
	[dreg:$0x1] =	wrdreg $0xFFFFFFFF  }
0xa8: {  	s28 =	simm.s32 $_size_execute0_lowered;
	s4 =	sadd.s32 s4, s6;
	[dreg:$0x0] =	wrdreg $0x0  }
0xa9: {  	s6 =	sshll.u32 s28, $0x1;
	[dreg:$0x2] =	wrdreg s4  }
0xaa: {  	[dreg:$0x3] =	wrdreg s6  }
0xab: {  	[dreg:$0x4] =	wrdreg $0xC0  }
0xac: {  	_ =	task [dreg:s8], $0x5FFFF  }
0xad: {  	[dreg:$0x1] =	wrdreg $0xFFFFFFFF  }
0xae: {  	[dreg:$0x0] =	wrdreg $0x60  }
0xaf: {  	[dreg:$0x2] =	wrdreg s24  }
0xb0: {  	[dreg:$0x3] =	wrdreg s2  }
0xb1: {  	[dreg:$0x4] =	wrdreg s18  }
0xb2: {  	[dreg:$0x5] =	wrdreg $0x9  }
0xb3: {  	_ =	task.clear_ibuf [dreg:s8], $0x6FFFF;
	_ =	strace $0x90000046  }
0xb4: {  	s29 =	simm.s32 $0x9;
	_ =	strace $0x80000048  }
0xb5: {  	_ =	swait.ge [sflag:s29], $0x1  }
0xb6: {  	[sflag:s29] =	ssyncadd.s32 $0xFFFFFFFF  }
0xb7: {  	_ =	strace $0x90000048  }
0xb8: {  	_ =	sfence  }
0xb9: {  	s30 =	sld [smem:$0x0];
	_ =	sdelay $0x2  }
0xba: {  	s31 =	sshll.u32 s1, $0xD;
	s1 =	sshrl.u32 s1, $0x2  }
0xbb: {  	s3 =	sand.u32 $0x4000, s31;
	s1 =	sadd.s32 s1, s30  }
0xbc: {  	s0 =	sor.u32 s3, s0;
	s1 =	sshll.u32 s1, $0x11  }
0xbd: {  	s0 =	sor.u32 s1, s0  }
0xbe: {  	s0 =	sadd.s32 $0x8F2B, s0  }
0xbf: {  	[sflag:s0] =	ssyncadd.remote.s32 $0x1  }
0xc0: {  	_ =	sfence.sel $0xFFFF  }
0xc1: {  	[dreg:$0x0] =	wrdreg $0xFFFFFFFF;
	(pc) =	sbr.abs _section_cstart, $3  }
0xc2: {  	[dreg:$0x1] =	wrdreg $0xFFFFFFFF  }
0xc3: {  	_ =	task.clear_ibuf [dreg:s8], $0x2FFFF;
	_ =	strace $0x9FFFFFFF  }
0xc4: {  	(tm) =	ssettm $0x7FFFFFFF  }
0xc5: {  	_ =	shalt  }
tec
execute0_lowered:
.L_overlay_start_1:
0x0: {  	(tag) =	ssettag $0x1  }
0x1: {  	s0 =	rddreg [dreg:$0x0]  }
0x2: {  	s1 =	srdreg.scid;
	s2 =	rddreg [dreg:$0x1]  }
0x3: {  	s7 =	stileid.u32;
	s11 =	rddreg [dreg:$0x2]  }
0x4: {  	s5 =	simm.s32 $0x0;
	s14 =	simm.s32 $0x9;
	s15 =	simm.s32 $0x80  }
0x5: {  	s16 =	simm.s32 $0x6400;
	s17 =	simm.s32 $0x8400;
	s19 =	simm.s32 $0xA400  }
0x6: {  	s21 =	simm.s32 $0xC400;
	s22 =	simm.s32 $0x1;
	s28 =	simm.s32 $0x3  }
0x7: {  	s29 =	simm.s32 $0x7;
	s30 =	simm.s32 $0x4;
	s8 =	smul.u32 $0x640000, s7  }
0x8: {  	s31 =	simm.s32 $0x8;
	s1 =	sand.u32 $0x1, s1;
	s10 =	smul.u32 $0xC800, s7  }
0x9: {  	s3 =	sshll.u32 s7, $0x1;
	[smem:$0x7FF] =	sst s5;
	s9 =	smul.u32 $0x320000, s1  }
0xa: {  	s3 =	sor.u32 s1, s3;
	s6 =	ssub.s32 $0x2, s1;
	s1 =	smul.u32 $0x6400, s1  }
0xb: {  	_ =	strace $0x80000047;
	s4 =	smul.u32 $0x6400, s3;
	s24 =	sshrl.u32 s6, $0x1  }
0xc: {  	s23 =	smul.u32 $0x320000, s3;
	s3 =	sadd.s32 $0xF42800, s0;
	s0 =	ssub.s32 s6, s24  }
0xd: {  	s25 =	sadd.s32 s9, s8;
	s1 =	sadd.s32 s1, s10;
	s24 =	simm.s32 $0x5  }
0xe: {  	s5 =	sshrl.u32 s23, $0x3;
	s4 =	sshrl.u32 s4, $0x3;
	s1 =	sshll.u32 s1, $0x4  }
0xf: {  	s9 =	smax.u32 s0, $0x1;
	s23 =	simm.s32 $0x40;
	s12 =	sadd.s32 s11, s5  }
0x10: {  	s2 =	sadd.s32 s2, s4;
	s26 =	sadd.s32 s1, s11;
	s1 =	simm.s32 $0x0  }
0x11: {  	[dreg:$0x4] =	wrdreg s2;
	s5 =	sadd.s32 $0x62000, s12;
	s6 =	sadd.s32 $0x62800, s12  }
0x12: {  	s7 =	sadd.s32 $0x63000, s12;
	s8 =	sadd.s32 $0x63800, s12;
	s2 =	sshrl.u32 s25, $0x3  }
0x13: {  	s12 =	sadd.s32 $0x1000, s26;
	s13 =	sadd.s32 $0x800, s26;
	s25 =	simm.s32 $0x2  }
0x14: {  	s10 =	sadd.s32 s2, s11;
	s11 =	sadd.s32 $0x1800, s26;
	s26 =	simm.s32 $0x6  }
.LBB2_1:
0x15: {  	s0 =	simm.s32 $0x0;
	s2 =	rddreg [dreg:$0x4]  }
0x16: {  	[tilespmem:s0], [sflag:$0x9] =	stream.linear.gather [hbm4b:s2+s0], $0x6400, $0x38;
	[tilespmem:$0xE400] =	vst v63  }
0x17: {  	_ =	swait.ge [sflag:s14], $0x6400  }
0x18: {  	[sflag:s14] =	ssyncset.done $0x0  }
0x19: {  	[sflag:s14] =	ssyncadd.s32 $0xFFFF9C00  }
0x1a: {  	[tilespmem:s16], [sflag:$0x1] =	stream.indirect.gather [hbm4b:s3+s15], $0x40, s0, s15, $0xb8;
	[tilespmem:$0xE400] =	vst v63  }
0x1b: {  	_ = 	snop  }
0x1c: {  	[tilespmem:s17], [sflag:$0x2] =	stream.indirect.gather [hbm4b:s3+s15], $0x40, s15, s15, $0xb8;
	[tilespmem:$0xE400] =	vst v63  }
0x1d: {  	s20 =	simm.s32 $0x100  }
0x1e: {  	[tilespmem:s19], [sflag:$0x3] =	stream.indirect.gather [hbm4b:s3+s15], $0x40, s20, s15, $0xb8;
	[tilespmem:$0xE400] =	vst v63  }
0x1f: {  	s2 =	simm.s32 $0x180  }
0x20: {  	[tilespmem:s21], [sflag:$0x4] =	stream.indirect.gather [hbm4b:s3+s15], $0x40, s2, s15, $0xb8;
	[tilespmem:$0xE400] =	vst v63  }
0x21: {  	_ =	swait.ge [sflag:s22], $0x2000  }
0x22: {  	[sflag:s22] =	ssyncset.done $0x0  }
0x23: {  	s4 =	sadd.s32 $0x0, s10;
	[sflag:s22] =	ssyncadd.s32 $0xFFFFE000  }
0x24: {  	[hbm4b:s4+s23] =	stream.strided.scatter [tilespmem:s16], [sflag:$0x5], $0x2000, s15, s23, $0x38;
	[tilespmem:$0xE400] =	vst v63  }
0x25: {  	_ =	swait.ge [sflag:s24], $0x2000  }
0x26: {  	[sflag:s24] =	ssyncset.done $0x0  }
0x27: {  	s18 =	simm.s32 $0x200;
	[sflag:s24] =	ssyncadd.s32 $0xFFFFE000  }
0x28: {  	[tilespmem:s16], [sflag:$0x1] =	stream.indirect.gather [hbm4b:s3+s15], $0x40, s18, s15, $0xb8;
	[tilespmem:$0xE400] =	vst v63  }
0x29: {  	_ =	swait.ge [sflag:s25], $0x2000  }
0x2a: {  	[sflag:s25] =	ssyncset.done $0x0  }
0x2b: {  	s20 =	sadd.s32 $0x0, s13;
	[sflag:s25] =	ssyncadd.s32 $0xFFFFE000  }
0x2c: {  	[hbm4b:s20+s23] =	stream.strided.scatter [tilespmem:s17], [sflag:$0x6], $0x2000, s15, s23, $0x38;
	[tilespmem:$0xE400] =	vst v63  }
0x2d: {  	_ =	swait.ge [sflag:s26], $0x2000  }
0x2e: {  	[sflag:s26] =	ssyncset.done $0x0  }
0x2f: {  	s2 =	simm.s32 $0x280;
	[sflag:s26] =	ssyncadd.s32 $0xFFFFE000  }
0x30: {  	[tilespmem:s17], [sflag:$0x2] =	stream.indirect.gather [hbm4b:s3+s15], $0x40, s2, s15, $0xb8;
	[tilespmem:$0xE400] =	vst v63  }
0x31: {  	_ =	swait.ge [sflag:s28], $0x2000  }
0x32: {  	[sflag:s28] =	ssyncset.done $0x0  }
0x33: {  	s4 =	sadd.s32 $0x0, s12;
	[sflag:s28] =	ssyncadd.s32 $0xFFFFE000  }
0x34: {  	[hbm4b:s4+s23] =	stream.strided.scatter [tilespmem:s19], [sflag:$0x7], $0x2000, s15, s23, $0x38;
	[tilespmem:$0xE400] =	vst v63  }
0x35: {  	_ =	swait.ge [sflag:s29], $0x2000  }
0x36: {  	[sflag:s29] =	ssyncset.done $0x0  }
0x37: {  	s18 =	simm.s32 $0x300;
	[sflag:s29] =	ssyncadd.s32 $0xFFFFE000  }
0x38: {  	[tilespmem:s19], [sflag:$0x3] =	stream.indirect.gather [hbm4b:s3+s15], $0x40, s18, s15, $0xb8;
	[tilespmem:$0xE400] =	vst v63  }
0x39: {  	_ =	swait.ge [sflag:s30], $0x2000  }
0x3a: {  	[sflag:s30] =	ssyncset.done $0x0  }
0x3b: {  	s20 =	sadd.s32 $0x0, s11;
	[sflag:s30] =	ssyncadd.s32 $0xFFFFE000  }
0x3c: {  	[hbm4b:s20+s23] =	stream.strided.scatter [tilespmem:s21], [sflag:$0x8], $0x2000, s15, s23, $0x38;
	[tilespmem:$0xE400] =	vst v63  }
0x3d: {  	_ =	swait.ge [sflag:s31], $0x2000  }
0x3e: {  	s0 =	simm.s32 $0x380;
	[sflag:s31] =	ssyncset.done $0x0  }
0x3f: {  	s18 =	simm.s32 $0x2000;
	s20 =	simm.s32 $0x580;
	[sflag:s31] =	ssyncadd.s32 $0xFFFFE000  }
.LBB2_2:
0x40: {  	[tilespmem:s21], [sflag:$0x4] =	stream.indirect.gather [hbm4b:s3+s15], $0x40, s0, s15, $0xb8;
	[tilespmem:$0xE400] =	vst v63  }
0x41: {  	s2 =	smov.u32 s18;
	s0 =	smov.u32 s20  }
0x42: {  	p0 =	sne.s32 s18, $0x60000;
	s18 =	sadd.s32 $0x2000, s18;
	_ =	swait.ge [sflag:s22], $0x2000  }
0x43: {  	[sflag:s22] =	ssyncset.done $0x0  }
0x44: {  	s4 =	sadd.s32 s2, s10;
	[sflag:s22] =	ssyncadd.s32 $0xFFFFE000  }
0x45: {  	[hbm4b:s4+s23] =	stream.strided.scatter [tilespmem:s16], [sflag:$0x5], $0x2000, s15, s23, $0x38;
	[tilespmem:$0xE400] =	vst v63  }
0x46: {  	_ =	swait.ge [sflag:s24], $0x2000  }
0x47: {  	[sflag:s24] =	ssyncset.done $0x0  }
0x48: {  	s4 =	sadd.s32 $0xFFFFFE80, s20;
	[sflag:s24] =	ssyncadd.s32 $0xFFFFE000  }
0x49: {  	[tilespmem:s16], [sflag:$0x1] =	stream.indirect.gather [hbm4b:s3+s15], $0x40, s4, s15, $0xb8;
	[tilespmem:$0xE400] =	vst v63  }
0x4a: {  	_ =	swait.ge [sflag:s25], $0x2000  }
0x4b: {  	[sflag:s25] =	ssyncset.done $0x0  }
0x4c: {  	s4 =	sadd.s32 s2, s13;
	[sflag:s25] =	ssyncadd.s32 $0xFFFFE000  }
0x4d: {  	[hbm4b:s4+s23] =	stream.strided.scatter [tilespmem:s17], [sflag:$0x6], $0x2000, s15, s23, $0x38;
	[tilespmem:$0xE400] =	vst v63  }
0x4e: {  	_ =	swait.ge [sflag:s26], $0x2000  }
0x4f: {  	[sflag:s26] =	ssyncset.done $0x0  }
0x50: {  	s4 =	sadd.s32 $0xFFFFFF00, s20;
	[sflag:s26] =	ssyncadd.s32 $0xFFFFE000  }
0x51: {  	[tilespmem:s17], [sflag:$0x2] =	stream.indirect.gather [hbm4b:s3+s15], $0x40, s4, s15, $0xb8;
	[tilespmem:$0xE400] =	vst v63  }
0x52: {  	_ =	swait.ge [sflag:s28], $0x2000  }
0x53: {  	[sflag:s28] =	ssyncset.done $0x0  }
0x54: {  	s4 =	sadd.s32 s2, s12;
	[sflag:s28] =	ssyncadd.s32 $0xFFFFE000  }
0x55: {  	[hbm4b:s4+s23] =	stream.strided.scatter [tilespmem:s19], [sflag:$0x7], $0x2000, s15, s23, $0x38;
	[tilespmem:$0xE400] =	vst v63  }
0x56: {  	_ =	swait.ge [sflag:s29], $0x2000  }
0x57: {  	[sflag:s29] =	ssyncset.done $0x0  }
0x58: {  	s4 =	sadd.s32 $0xFFFFFF80, s20;
	[sflag:s29] =	ssyncadd.s32 $0xFFFFE000  }
0x59: {  	[tilespmem:s19], [sflag:$0x3] =	stream.indirect.gather [hbm4b:s3+s15], $0x40, s4, s15, $0xb8;
	[tilespmem:$0xE400] =	vst v63  }
0x5a: {  	_ =	swait.ge [sflag:s30], $0x2000  }
0x5b: {  	[sflag:s30] =	ssyncset.done $0x0  }
.Ltmp0:
0x5c: {  	s2 =	sadd.s32 s2, s11;
	[sflag:s30] =	ssyncadd.s32 $0xFFFFE000;
	(pc) =	sbr.rel @p0 .LBB2_2-.Ltmp0, $4  }
0x5d: {  	[hbm4b:s2+s23] =	stream.strided.scatter [tilespmem:s21], [sflag:$0x8], $0x2000, s15, s23, $0x38;
	[tilespmem:$0xE400] =	vst v63  }
0x5e: {  	_ =	swait.ge [sflag:s31], $0x2000  }
0x5f: {  	[sflag:s31] =	ssyncset.done $0x0  }
0x60: {  	s20 =	sadd.s32 $0x200, s20;
	[sflag:s31] =	ssyncadd.s32 $0xFFFFE000  }
0x61: {  	[tilespmem:s21], [sflag:$0x4] =	stream.indirect.gather [hbm4b:s3+s15], $0x40, s0, s15, $0xb8;
	[tilespmem:$0xE400] =	vst v63  }
0x62: {  	_ =	swait.ge [sflag:s22], $0x2000  }
0x63: {  	[sflag:s22] =	ssyncset.done $0x0  }
0x64: {  	[sflag:s22] =	ssyncadd.s32 $0xFFFFE000  }
0x65: {  	[hbm4b:s5+s23] =	stream.strided.scatter [tilespmem:s16], [sflag:$0x5], $0x2000, s15, s23, $0x38;
	[tilespmem:$0xE400] =	vst v63  }
0x66: {  	_ =	swait.ge [sflag:s25], $0x2000  }
0x67: {  	[sflag:s25] =	ssyncset.done $0x0  }
0x68: {  	[sflag:s25] =	ssyncadd.s32 $0xFFFFE000  }
0x69: {  	[hbm4b:s6+s23] =	stream.strided.scatter [tilespmem:s17], [sflag:$0x6], $0x2000, s15, s23, $0x38;
	[tilespmem:$0xE400] =	vst v63  }
0x6a: {  	_ =	swait.ge [sflag:s28], $0x2000  }
0x6b: {  	[sflag:s28] =	ssyncset.done $0x0  }
0x6c: {  	[sflag:s28] =	ssyncadd.s32 $0xFFFFE000  }
0x6d: {  	[hbm4b:s7+s23] =	stream.strided.scatter [tilespmem:s19], [sflag:$0x7], $0x2000, s15, s23, $0x38;
	[tilespmem:$0xE400] =	vst v63  }
0x6e: {  	_ =	swait.ge [sflag:s30], $0x2000  }
0x6f: {  	[sflag:s30] =	ssyncset.done $0x0  }
0x70: {  	[sflag:s30] =	ssyncadd.s32 $0xFFFFE000  }
0x71: {  	[hbm4b:s8+s23] =	stream.strided.scatter [tilespmem:s21], [sflag:$0x8], $0x2000, s15, s23, $0x38;
	[tilespmem:$0xE400] =	vst v63  }
0x72: {  	_ =	swait.ge [sflag:s24], $0x2000  }
0x73: {  	[sflag:s24] =	ssyncset.done $0x0  }
0x74: {  	[sflag:s24] =	ssyncadd.s32 $0xFFFFE000  }
0x75: {  	_ =	swait.ge [sflag:s26], $0x2000  }
0x76: {  	[sflag:s26] =	ssyncset.done $0x0  }
0x77: {  	s1 =	sadd.s32 $0x1, s1;
	[sflag:s26] =	ssyncadd.s32 $0xFFFFE000  }
0x78: {  	p0 =	sne.s32 s1, s9;
	_ =	swait.ge [sflag:s29], $0x2000  }
.Ltmp1:
0x79: {  	[sflag:s29] =	ssyncset.done $0x0;
	(pc) =	sbr.rel @p0 .LBB2_1-.Ltmp1, $4  }
0x7a: {  	[sflag:s29] =	ssyncadd.s32 $0xFFFFE000  }
0x7b: {  	_ =	swait.ge [sflag:s31], $0x2000  }
0x7c: {  	[sflag:s31] =	ssyncset.done $0x0  }
0x7d: {  	[sflag:s31] =	ssyncadd.s32 $0xFFFFE000  }
0x7e: {  	_ =	sfence.sel $0x180000  }
0x7f: {  	[bflag:$0x0] =	sbarrier.arrive $0xFFFF  }
0x80: {  	_ =	strace $0x90000047  }
0x81: {  	s0 =	stileid.u32;
	[bflag:$0x2] =	sbarrier.arrive $0xFFFF  }
0x82: {  	p0 =	sne.s32 s0, $0x0;
	s0 =	rddreg [dreg:$0x3]  }
0x83: {  	s0 =	sadd.s32 @!p0 $0x100000, s0  }
0x84: {  	[sflag:s0] =	ssyncadd.tile.s32 @!p0 $0x1;
	_ =	shalt  }
.Lfunc_end2:
_tile_overlayer_lowered:
.L_overlay_start_2:
0x85: {  	(tag) =	ssettag $0x2  }
0x86: {  	s0 =	rddreg [dreg:$0x0];
	s2 =	stileid.u32  }
0x87: {  	s1 =	rddreg [dreg:$0x1];
	p0 =	sne.s32 s2, $0x0  }
0x88: {  	s3 =	rddreg [dreg:$0x2];
	[bflag:$0x3] =	sbarrier.arrive $0xFFFF;
	s2 =	simm.s32 @!p0 $0x1C09  }
0x89: {  	[timem:s3], [sflag:s2] =	dma.local @!p0 [hbm:s0], s1  }
0x8a: {  	s0 =	simm.s32 @!p0 $0x9  }
0x8b: {  	_ =	swait.ge @!p0 [sflag:s0], s1  }
0x8c: {  	s1 =	ssub.s32 @!p0 $0x0, s1;
	[sflag:s0] =	ssyncset.done @!p0 $0x0  }
0x8d: {  	[sflag:s0] =	ssyncadd.s32 @!p0 s1  }
0x8e: {  	[bflag:$0x3] =	sbarrier.arrive $0xFFFF  }
0x8f: {  	_ =	shalt  }

</sc_bundles>
